<compile_context>
chip_gen: v7x
topology: tpu7x:2x2x1
jax: 0.10.2.dev20260603
libtpu: 0.0.44.dev20260713+nightly
codegen_flags: <defaults>
</compile_context>

<pallas_src>
import jax
import jax.numpy as jnp
from jax import lax
from jax.experimental import pallas as pl
from jax.experimental.pallas import tpu as pltpu
from jax.experimental.pallas import tpu_sc as plsc

N = 10000
NP = 10240
E = 160000
EP = 163840
D_IN = 256
HID = 32
HIDP = 128
G = 64
NTILES = 32
CHUNKS = EP // (NTILES * 128)
ROWS_PER_TILE = NP // 16
BLK = 2048
NBLK = NP // BLK

_mesh = plsc.VectorSubcoreMesh(core_axis_name="c", subcore_axis_name="s")



def _deg_body(dst_hbm, ones_hbm, zero_hbm, out_hbm, idx_v, ones_v, acc, sem):
    cid = lax.axis_index("c")
    sid = lax.axis_index("s")
    wid = cid * 16 + sid
    base = sid * ROWS_PER_TILE
    pltpu.sync_copy(zero_hbm, acc.at[pl.ds(base, ROWS_PER_TILE)])
    pltpu.sync_copy(ones_hbm, ones_v)
    pltpu.sync_copy(dst_hbm.at[wid], idx_v)
    plsc.subcore_barrier()

    @pl.loop(0, CHUNKS)
    def _(j):
        pltpu.sync_copy(ones_v, acc.at[idx_v.at[j]], add=True)

    plsc.subcore_barrier()
    pltpu.sync_copy(acc.at[pl.ds(base, ROWS_PER_TILE)],
                    out_hbm.at[cid, pl.ds(base, ROWS_PER_TILE)])


_deg_call = pl.kernel(
    _deg_body,
    out_type=jax.ShapeDtypeStruct((2, NP), jnp.float32),
    mesh=_mesh,
    scratch_types=[
        pltpu.VMEM((CHUNKS, 128), jnp.int32),
        pltpu.VMEM((128,), jnp.float32),
        pltpu.VMEM_SHARED((NP,), jnp.float32),
        pltpu.SemaphoreType.DMA,
    ],
)


NBUF = 2


def _edge_body(hp_hbm, src_hbm, dst_hbm, zero_hbm, out_hbm,
               sidx_v, didx_v, r0, r1, acc, s0, s1):
    cid = lax.axis_index("c")
    sid = lax.axis_index("s")
    wid = cid * 16 + sid
    base = sid * ROWS_PER_TILE
    rows = [r0, r1]
    sems = [s0, s1]
    pltpu.sync_copy(zero_hbm, acc.at[pl.ds(base, ROWS_PER_TILE)])
    pltpu.sync_copy(src_hbm.at[wid], sidx_v)
    pltpu.sync_copy(dst_hbm.at[wid], didx_v)
    plsc.subcore_barrier()

    for b in range(NBUF):
        pltpu.async_copy(hp_hbm.at[sidx_v.at[b]], rows[b], sems[b])

    @pl.loop(0, CHUNKS - NBUF, step=NBUF)
    def _(g):
        for b in range(NBUF):
            j = g + b
            pltpu.make_async_copy(hp_hbm.at[sidx_v.at[j]], rows[b],
                                  sems[b]).wait()
            pltpu.sync_copy(rows[b], acc.at[didx_v.at[j]], add=True)
            pltpu.async_copy(hp_hbm.at[sidx_v.at[j + NBUF]], rows[b], sems[b])

    for b in range(NBUF):
        j = CHUNKS - NBUF + b
        pltpu.make_async_copy(hp_hbm.at[sidx_v.at[j]], rows[b], sems[b]).wait()
        pltpu.sync_copy(rows[b], acc.at[didx_v.at[j]], add=True)

    plsc.subcore_barrier()
    pltpu.sync_copy(acc.at[pl.ds(base, ROWS_PER_TILE)],
                    out_hbm.at[cid, pl.ds(base, ROWS_PER_TILE)])


_edge_call = pl.kernel(
    _edge_body,
    out_type=jax.ShapeDtypeStruct((2, NP, HIDP), jnp.float32),
    mesh=_mesh,
    scratch_types=[
        pltpu.VMEM((CHUNKS, 128), jnp.int32),
        pltpu.VMEM((CHUNKS, 128), jnp.int32),
        pltpu.VMEM((128, HIDP), jnp.float32),
        pltpu.VMEM((128, HIDP), jnp.float32),
        pltpu.VMEM_SHARED((NP, HIDP), jnp.float32),
        pltpu.SemaphoreType.DMA,
        pltpu.SemaphoreType.DMA,
    ],
)



def _mm_scale_body(x_ref, w_ref, degp_ref, out_ref):
    deg = degp_ref[0] + degp_ref[1] + 1.0
    dinv = 1.0 / jnp.sqrt(deg)
    h = jnp.dot(x_ref[...], w_ref[...], preferred_element_type=jnp.float32,
                precision=lax.Precision.HIGHEST)
    out_ref[...] = h * dinv[:, None]


def _mm_scale(x_pad, W1p, degp):
    return pl.pallas_call(
        _mm_scale_body,
        grid=(NBLK,),
        in_specs=[
            pl.BlockSpec((BLK, D_IN), lambda i: (i, 0)),
            pl.BlockSpec((D_IN, HIDP), lambda i: (0, 0)),
            pl.BlockSpec((2, BLK), lambda i: (0, i)),
        ],
        out_specs=pl.BlockSpec((BLK, HIDP), lambda i: (i, 0)),
        out_shape=jax.ShapeDtypeStruct((NP, HIDP), jnp.float32),
    )(x_pad, W1p, degp)


def _combine_body(s_ref, hp_ref, degp_ref, b_ref, w_ref, out_ref):
    deg = degp_ref[0] + degp_ref[1] + 1.0
    dinv = 1.0 / jnp.sqrt(deg)
    s = s_ref[0] + s_ref[1] + hp_ref[...]
    h = jnp.maximum(dinv[:, None] * s + b_ref[0][None, :], 0.0)
    out_ref[...] = jnp.dot(h, w_ref[...], preferred_element_type=jnp.float32,
                           precision=lax.Precision.HIGHEST) * dinv[:, None]


def _combine_mm(s1, hp1, degp, b1b, W2p):
    return pl.pallas_call(
        _combine_body,
        grid=(NBLK,),
        in_specs=[
            pl.BlockSpec((2, BLK, HIDP), lambda i: (0, i, 0)),
            pl.BlockSpec((BLK, HIDP), lambda i: (i, 0)),
            pl.BlockSpec((2, BLK), lambda i: (0, i)),
            pl.BlockSpec((8, HIDP), lambda i: (0, 0)),
            pl.BlockSpec((HIDP, HIDP), lambda i: (0, 0)),
        ],
        out_specs=pl.BlockSpec((BLK, HIDP), lambda i: (i, 0)),
        out_shape=jax.ShapeDtypeStruct((NP, HIDP), jnp.float32),
    )(s1, hp1, degp, b1b, W2p)


def _final_body(s_ref, hp_ref, degp_ref, b_ref, batch_ref, fcwt_ref, fcbb_ref,
                out_ref, sums_acc, cnt_acc):
    i = pl.program_id(0)

    @pl.when(i == 0)
    def _():
        sums_acc[...] = jnp.zeros_like(sums_acc)
        cnt_acc[...] = jnp.zeros_like(cnt_acc)

    deg = degp_ref[0] + degp_ref[1] + 1.0
    dinv = 1.0 / jnp.sqrt(deg)
    s = s_ref[0] + s_ref[1] + hp_ref[...]
    h = jnp.maximum(dinv[:, None] * s + b_ref[0][None, :], 0.0)
    bvec = batch_ref[0, 0, :]
    onehot = (bvec[None, :] ==
              lax.broadcasted_iota(jnp.int32, (G, BLK), 0)).astype(jnp.float32)
    sums_acc[...] += jnp.dot(onehot, h, preferred_element_type=jnp.float32,
                             precision=lax.Precision.HIGHEST)
    cnt_acc[...] += jnp.sum(onehot, axis=1, keepdims=True)

    @pl.when(i == NBLK - 1)
    def _():
        g = sums_acc[...] / jnp.maximum(cnt_acc[...], 1.0)
        out_ref[...] = (jnp.sum(g * fcwt_ref[0][None, :], axis=1,
                                keepdims=True) + fcbb_ref[0, 0])


def _final(s2, hp2, degp, b2b, batch3, fcwt, fcbb):
    return pl.pallas_call(
        _final_body,
        grid=(NBLK,),
        in_specs=[
            pl.BlockSpec((2, BLK, HIDP), lambda i: (0, i, 0)),
            pl.BlockSpec((BLK, HIDP), lambda i: (i, 0)),
            pl.BlockSpec((2, BLK), lambda i: (0, i)),
            pl.BlockSpec((8, HIDP), lambda i: (0, 0)),
            pl.BlockSpec((1, 1, BLK), lambda i: (i, 0, 0)),
            pl.BlockSpec((8, HIDP), lambda i: (0, 0)),
            pl.BlockSpec((8, HIDP), lambda i: (0, 0)),
        ],
        out_specs=pl.BlockSpec((G, 1), lambda i: (0, 0)),
        out_shape=jax.ShapeDtypeStruct((G, 1), jnp.float32),
        scratch_shapes=[
            pltpu.VMEM((G, HIDP), jnp.float32),
            pltpu.VMEM((G, 1), jnp.float32),
        ],
    )(s2, hp2, degp, b2b, batch3, fcwt, fcbb)



def kernel(x, edge_index, batch, W1, b1, W2, b2, fcW, fcb):
    src = edge_index[0].astype(jnp.int32)
    dst = edge_index[1].astype(jnp.int32)
    pad_e = EP - E
    src_r = jnp.concatenate(
        [src, jnp.full((pad_e,), N, jnp.int32)]).reshape(NTILES, CHUNKS, 128)
    dst_r = jnp.concatenate(
        [dst, jnp.full((pad_e,), N, jnp.int32)]).reshape(NTILES, CHUNKS, 128)
    x_pad = jnp.pad(x, ((0, NP - N), (0, 0)))
    batch3 = jnp.concatenate(
        [batch.astype(jnp.int32), jnp.full((NP - N,), G, jnp.int32)]
    ).reshape(NBLK, 1, BLK)
    ones128 = jnp.ones((128,), jnp.float32)
    zdeg = jnp.zeros((ROWS_PER_TILE,), jnp.float32)
    zrows = jnp.zeros((ROWS_PER_TILE, HIDP), jnp.float32)
    W1p = jnp.pad(W1, ((0, 0), (0, HIDP - HID)))
    W2p = jnp.pad(W2, ((0, HIDP - HID), (0, HIDP - HID)))
    b1b = jnp.broadcast_to(jnp.pad(b1, (0, HIDP - HID))[None, :], (8, HIDP))
    b2b = jnp.broadcast_to(jnp.pad(b2, (0, HIDP - HID))[None, :], (8, HIDP))
    fcwt = jnp.broadcast_to(jnp.pad(fcW[:, 0], (0, HIDP - HID))[None, :],
                            (8, HIDP))
    fcbb = jnp.broadcast_to(jnp.pad(fcb, (0, HIDP - 1))[None, :], (8, HIDP))

    degp = _deg_call(dst_r, ones128, zdeg)
    hp1 = _mm_scale(x_pad, W1p, degp)
    s1 = _edge_call(hp1, src_r, dst_r, zrows)
    hp2 = _combine_mm(s1, hp1, degp, b1b, W2p)
    s2 = _edge_call(hp2, src_r, dst_r, zrows)
    out2d = _final(s2, hp2, degp, b2b, batch3, fcwt, fcbb)
    return out2d[:, 0]

# --- scband reference (transcript-rebuilt; emitter-appended) ---
"""Pipeline reference for scband-drug-gcn-44770739093938 (READ-ONLY COPY).

The authoritative reference and input builder live on the scoring server;
editing this copy changes nothing except your own understanding.
"""

import jax, jax.numpy as jnp
import numpy as np

N_NODES = 10000
N_EDGES = 160000
D_IN = 256
HID = 32
NUM_GRAPHS = 64


def gcn_conv(x, edge_index, W, b):
    n = x.shape[0]
    src = edge_index[0]
    dst = edge_index[1]
    loop = jnp.arange(n, dtype=src.dtype)
    src = jnp.concatenate([src, loop])
    dst = jnp.concatenate([dst, loop])
    deg = jnp.zeros((n,), dtype=x.dtype).at[dst].add(1.0)
    dinv = jnp.where(deg > 0, 1.0 / jnp.sqrt(deg), 0.0)
    norm = dinv[src] * dinv[dst]
    h = x @ W
    msg = h[src] * norm[:, None]
    out = jnp.zeros((n, W.shape[1]), dtype=x.dtype).at[dst].add(msg)
    return out + b


def global_mean_pool(x, batch, num_graphs):
    sums = jax.ops.segment_sum(x, batch, num_segments=num_graphs)
    counts = jax.ops.segment_sum(jnp.ones((x.shape[0],), dtype=x.dtype), batch, num_segments=num_graphs)
    return sums / jnp.maximum(counts, 1.0)[:, None]


def setup_inputs(seed: int = 0) -> dict:
    key = jax.random.key(seed)
    ks = jax.random.split(key, 9)
    x = jax.random.normal(ks[0], (N_NODES, D_IN), dtype=jnp.float32)
    edge_index = jax.random.randint(ks[1], (2, N_EDGES), 0, N_NODES, dtype=jnp.int64)
    batch = jnp.sort(jax.random.randint(ks[2], (N_NODES,), 0, NUM_GRAPHS, dtype=jnp.int64))
    s1 = 1.0 / np.sqrt(D_IN)
    s2 = 1.0 / np.sqrt(HID)
    W1 = jax.random.uniform(ks[3], (D_IN, HID), dtype=jnp.float32, minval=-s1, maxval=s1)
    b1 = jnp.zeros((HID,), dtype=jnp.float32)
    W2 = jax.random.uniform(ks[4], (HID, HID), dtype=jnp.float32, minval=-s2, maxval=s2)
    b2 = jnp.zeros((HID,), dtype=jnp.float32)
    fcW = jax.random.uniform(ks[5], (HID, 1), dtype=jnp.float32, minval=-s2, maxval=s2)
    fcb = jnp.zeros((1,), dtype=jnp.float32)
    return {"x": x, "edge_index": edge_index, "batch": batch, "W1": W1, "b1": b1, "W2": W2, "b2": b2, "fcW": fcW, "fcb": fcb}


def reference(x, edge_index, batch, W1, b1, W2, b2, fcW, fcb):
    h = jax.nn.relu(gcn_conv(x, edge_index, W1, b1))
    h = jax.nn.relu(gcn_conv(h, edge_index, W2, b2))
    g = global_mean_pool(h, batch, NUM_GRAPHS)
    out = g @ fcW + fcb
    return jnp.squeeze(out, axis=-1)

if __name__ == "__main__":
    import jax
    _d = setup_inputs()
    print(jax.jit(kernel)(*tuple(_d.values())))

</pallas_src>

<mosaic_0001>
#map = affine_map<(d0, d1) -> (0, 0, 0)>
#map1 = affine_map<(d0, d1) -> (0)>
#map2 = affine_map<(d0, d1) -> (0, 0)>
module attributes {stable_mosaic.version = 14 : i64} {
  func.func @_deg_body(%arg0: i32, %arg1: i32, %arg2: memref<32x40x128xi32, #tpu.memory_space<hbm>>, %arg3: memref<128xf32, #tpu.memory_space<hbm>>, %arg4: memref<640xf32, #tpu.memory_space<hbm>>, %arg5: memref<2x10240xf32, #tpu.memory_space<hbm>>, %arg6: memref<40x128xi32, #tpu.memory_space<vmem>>, %arg7: memref<128xf32, #tpu.memory_space<vmem>>, %arg8: memref<10240xf32, #tpu.memory_space<vmem_shared>>, %arg9: memref<!tpu.dma_semaphore, #tpu.memory_space<semaphore_mem>>) attributes {dimension_semantics = [#tpu.dimension_semantics<core_parallel>, #tpu.dimension_semantics<subcore_parallel>], iteration_bounds = array<i64: 2, 16>, scalar_prefetch = 0 : i64, scratch_operands = 4 : i64, tpu.core_type = #tpu.core_type<sc_vector_subcore>, window_params = [{transform_indices = #map}, {transform_indices = #map1}, {transform_indices = #map1}, {transform_indices = #map2}]} {
    %mul3A = arith.constant 16 : i32
    %mul3A_0 = arith.muli %arg0, %mul3A : i32
    %add3A = arith.addi %mul3A_0, %arg1 : i32
    %mul3A_1 = arith.constant 640 : i32
    %mul3A_2 = arith.muli %arg1, %mul3A_1 : i32
    "tpu.region"() ({
      %run_scoped3A = tpu.sem_alloc : memref<!tpu.dma_semaphore, #tpu.memory_space<semaphore_mem>>
      %dma_start3A = tpu.memref_slice %arg8[%mul3A_2] : memref<10240xf32, #tpu.memory_space<vmem_shared>> -> memref<640xf32, #tpu.memory_space<vmem_shared>>
      tpu.enqueue_dma source(%arg4 : memref<640xf32, #tpu.memory_space<hbm>>) target(%dma_start3A : memref<640xf32, #tpu.memory_space<vmem_shared>>) target_semaphore(%run_scoped3A : memref<!tpu.dma_semaphore, #tpu.memory_space<semaphore_mem>>)
      %dma_wait3A = tpu.memref_slice %arg8[%mul3A_2] : memref<10240xf32, #tpu.memory_space<vmem_shared>> -> memref<640xf32, #tpu.memory_space<vmem_shared>>
      tpu.wait_dma2 semaphore(%run_scoped3A : memref<!tpu.dma_semaphore, #tpu.memory_space<semaphore_mem>>) src(%arg4 : memref<640xf32, #tpu.memory_space<hbm>>) dst(%dma_wait3A : memref<640xf32, #tpu.memory_space<vmem_shared>>)
      tpu.yield
    }) : () -> ()
    "tpu.region"() ({
      %run_scoped3A = tpu.sem_alloc : memref<!tpu.dma_semaphore, #tpu.memory_space<semaphore_mem>>
      tpu.enqueue_dma source(%arg3 : memref<128xf32, #tpu.memory_space<hbm>>) target(%arg7 : memref<128xf32, #tpu.memory_space<vmem>>) target_semaphore(%run_scoped3A : memref<!tpu.dma_semaphore, #tpu.memory_space<semaphore_mem>>)
      tpu.wait_dma2 semaphore(%run_scoped3A : memref<!tpu.dma_semaphore, #tpu.memory_space<semaphore_mem>>) src(%arg3 : memref<128xf32, #tpu.memory_space<hbm>>) dst(%arg7 : memref<128xf32, #tpu.memory_space<vmem>>)
      tpu.yield
    }) : () -> ()
    "tpu.region"() ({
      %run_scoped3A = tpu.sem_alloc : memref<!tpu.dma_semaphore, #tpu.memory_space<semaphore_mem>>
      %dma_start3A = arith.constant 0 : i32
      %dma_start3A_8 = arith.constant 0 : i32
      %dma_start3A_9 = tpu.memref_slice %arg2[%add3A, %dma_start3A, %dma_start3A_8] : memref<32x40x128xi32, #tpu.memory_space<hbm>> -> memref<1x40x128xi32, #tpu.memory_space<hbm>>
      %dma_start3A_10 = tpu.memref_squeeze %dma_start3A_9 : memref<1x40x128xi32, #tpu.memory_space<hbm>> -> memref<40x128xi32, #tpu.memory_space<hbm>>
      %dma_start3A_11 = arith.constant 0 : i32
      %dma_start3A_12 = arith.constant 0 : i32
      %dma_start3A_13 = tpu.memref_slice %arg2[%add3A, %dma_start3A_11, %dma_start3A_12] : memref<32x40x128xi32, #tpu.memory_space<hbm>> -> memref<1x40x128xi32, #tpu.memory_space<hbm>>
      %dma_start3A_14 = tpu.memref_squeeze %dma_start3A_13 : memref<1x40x128xi32, #tpu.memory_space<hbm>> -> memref<40x128xi32, #tpu.memory_space<hbm>>
      tpu.enqueue_dma source(%dma_start3A_14 : memref<40x128xi32, #tpu.memory_space<hbm>>) target(%arg6 : memref<40x128xi32, #tpu.memory_space<vmem>>) target_semaphore(%run_scoped3A : memref<!tpu.dma_semaphore, #tpu.memory_space<semaphore_mem>>)
      %dma_wait3A = arith.constant 0 : i32
      %dma_wait3A_15 = arith.constant 0 : i32
      %dma_wait3A_16 = tpu.memref_slice %arg2[%add3A, %dma_wait3A, %dma_wait3A_15] : memref<32x40x128xi32, #tpu.memory_space<hbm>> -> memref<1x40x128xi32, #tpu.memory_space<hbm>>
      %dma_wait3A_17 = tpu.memref_squeeze %dma_wait3A_16 : memref<1x40x128xi32, #tpu.memory_space<hbm>> -> memref<40x128xi32, #tpu.memory_space<hbm>>
      %dma_wait3A_18 = arith.constant 0 : i32
      %dma_wait3A_19 = arith.constant 0 : i32
      %dma_wait3A_20 = tpu.memref_slice %arg2[%add3A, %dma_wait3A_18, %dma_wait3A_19] : memref<32x40x128xi32, #tpu.memory_space<hbm>> -> memref<1x40x128xi32, #tpu.memory_space<hbm>>
      %dma_wait3A_21 = tpu.memref_squeeze %dma_wait3A_20 : memref<1x40x128xi32, #tpu.memory_space<hbm>> -> memref<40x128xi32, #tpu.memory_space<hbm>>
      tpu.wait_dma2 semaphore(%run_scoped3A : memref<!tpu.dma_semaphore, #tpu.memory_space<semaphore_mem>>) src(%dma_wait3A_21 : memref<40x128xi32, #tpu.memory_space<hbm>>) dst(%arg6 : memref<40x128xi32, #tpu.memory_space<vmem>>)
      tpu.yield
    }) : () -> ()
    %barrier3A = arith.constant 0 : index
    tpu.barrier barrier_id(%barrier3A)
    %scan3A = arith.constant 0 : i32
    %scan3A_3 = arith.constant 40 : i32
    %scan3A_4 = arith.addi %scan3A, %scan3A_3 : i32
    %scan3A_5 = arith.constant 1 : i32
    scf.for %scan3A_8 = %scan3A to %scan3A_4 step %scan3A_5  : i32 {
      %mul3A_9 = arith.constant 1 : i32
      %mul3A_10 = arith.muli %scan3A_8, %mul3A_9 : i32
      %add3A_11 = arith.constant 0 : i32
      %add3A_12 = arith.addi %add3A_11, %mul3A_10 : i32
      "tpu.region"() ({
        %run_scoped3A = tpu.sem_alloc : memref<!tpu.dma_semaphore, #tpu.memory_space<semaphore_mem>>
        %dma_start3A = arith.constant 0 : i32
        %dma_start3A_13 = tpu.memref_slice %arg6[%add3A_12, %dma_start3A] : memref<40x128xi32, #tpu.memory_space<vmem>> -> memref<1x128xi32, #tpu.memory_space<vmem>>
        %dma_start3A_14 = tpu.memref_squeeze %dma_start3A_13 : memref<1x128xi32, #tpu.memory_space<vmem>> -> memref<128xi32, #tpu.memory_space<vmem>>
        %dma_start3A_15 = arith.constant 0 : i32
        %dma_start3A_16 = tpu.memref_slice %arg8[%dma_start3A_15] : memref<10240xf32, #tpu.memory_space<vmem_shared>> -> memref<10240xf32, #tpu.memory_space<vmem_shared>>
        tpu.enqueue_indirect_dma source(%arg7 : memref<128xf32, #tpu.memory_space<vmem>>) target(%dma_start3A_16 : memref<10240xf32, #tpu.memory_space<vmem_shared>>) offsets(%dma_start3A_14 : memref<128xi32, #tpu.memory_space<vmem>>) semaphore(%run_scoped3A : memref<!tpu.dma_semaphore, #tpu.memory_space<semaphore_mem>>) {add = true}
        %dma_wait3A = arith.constant 0 : i32
        %dma_wait3A_17 = tpu.memref_slice %arg6[%add3A_12, %dma_wait3A] : memref<40x128xi32, #tpu.memory_space<vmem>> -> memref<1x128xi32, #tpu.memory_space<vmem>>
        %dma_wait3A_18 = tpu.memref_squeeze %dma_wait3A_17 : memref<1x128xi32, #tpu.memory_space<vmem>> -> memref<128xi32, #tpu.memory_space<vmem>>
        %dma_wait3A_19 = arith.constant 0 : i32
        %dma_wait3A_20 = tpu.memref_slice %arg8[%dma_wait3A_19] : memref<10240xf32, #tpu.memory_space<vmem_shared>> -> memref<10240xf32, #tpu.memory_space<vmem_shared>>
        tpu.wait_indirect_dma semaphore(%run_scoped3A : memref<!tpu.dma_semaphore, #tpu.memory_space<semaphore_mem>>) src(%arg7 : memref<128xf32, #tpu.memory_space<vmem>>) dst(%dma_wait3A_20 : memref<10240xf32, #tpu.memory_space<vmem_shared>>)
        tpu.yield
      }) : () -> ()
    }
    %scan3A_6 = arith.constant 40 : i32
    %barrier3A_7 = arith.constant 0 : index
    tpu.barrier barrier_id(%barrier3A_7)
    "tpu.region"() ({
      %run_scoped3A = tpu.sem_alloc : memref<!tpu.dma_semaphore, #tpu.memory_space<semaphore_mem>>
      %dma_start3A = tpu.memref_slice %arg5[%arg0, %mul3A_2] : memref<2x10240xf32, #tpu.memory_space<hbm>> -> memref<1x640xf32, #tpu.memory_space<hbm>>
      %dma_start3A_8 = tpu.memref_squeeze %dma_start3A : memref<1x640xf32, #tpu.memory_space<hbm>> -> memref<640xf32, #tpu.memory_space<hbm>>
      %dma_start3A_9 = tpu.memref_slice %arg8[%mul3A_2] : memref<10240xf32, #tpu.memory_space<vmem_shared>> -> memref<640xf32, #tpu.memory_space<vmem_shared>>
      tpu.enqueue_dma source(%dma_start3A_9 : memref<640xf32, #tpu.memory_space<vmem_shared>>) target(%dma_start3A_8 : memref<640xf32, #tpu.memory_space<hbm>>) target_semaphore(%run_scoped3A : memref<!tpu.dma_semaphore, #tpu.memory_space<semaphore_mem>>)
      %dma_wait3A = tpu.memref_slice %arg5[%arg0, %mul3A_2] : memref<2x10240xf32, #tpu.memory_space<hbm>> -> memref<1x640xf32, #tpu.memory_space<hbm>>
      %dma_wait3A_10 = tpu.memref_squeeze %dma_wait3A : memref<1x640xf32, #tpu.memory_space<hbm>> -> memref<640xf32, #tpu.memory_space<hbm>>
      %dma_wait3A_11 = tpu.memref_slice %arg8[%mul3A_2] : memref<10240xf32, #tpu.memory_space<vmem_shared>> -> memref<640xf32, #tpu.memory_space<vmem_shared>>
      tpu.wait_dma2 semaphore(%run_scoped3A : memref<!tpu.dma_semaphore, #tpu.memory_space<semaphore_mem>>) src(%dma_wait3A_11 : memref<640xf32, #tpu.memory_space<vmem_shared>>) dst(%dma_wait3A_10 : memref<640xf32, #tpu.memory_space<hbm>>)
      tpu.yield
    }) : () -> ()
    return
  }
}

#map = affine_map<(d0, d1) -> (0, 0)>
#map1 = affine_map<(d0, d1) -> (0, 0, 0)>
module attributes {stable_mosaic.version = 14 : i64} {
  func.func @_edge_body(%arg0: i32, %arg1: i32, %arg2: memref<10240x128xf32, #tpu.memory_space<hbm>>, %arg3: memref<32x40x128xi32, #tpu.memory_space<hbm>>, %arg4: memref<32x40x128xi32, #tpu.memory_space<hbm>>, %arg5: memref<640x128xf32, #tpu.memory_space<hbm>>, %arg6: memref<2x10240x128xf32, #tpu.memory_space<hbm>>, %arg7: memref<40x128xi32, #tpu.memory_space<vmem>>, %arg8: memref<40x128xi32, #tpu.memory_space<vmem>>, %arg9: memref<128x128xf32, #tpu.memory_space<vmem>>, %arg10: memref<128x128xf32, #tpu.memory_space<vmem>>, %arg11: memref<10240x128xf32, #tpu.memory_space<vmem_shared>>, %arg12: memref<!tpu.dma_semaphore, #tpu.memory_space<semaphore_mem>>, %arg13: memref<!tpu.dma_semaphore, #tpu.memory_space<semaphore_mem>>) attributes {dimension_semantics = [#tpu.dimension_semantics<core_parallel>, #tpu.dimension_semantics<subcore_parallel>], iteration_bounds = array<i64: 2, 16>, scalar_prefetch = 0 : i64, scratch_operands = 7 : i64, tpu.core_type = #tpu.core_type<sc_vector_subcore>, window_params = [{transform_indices = #map}, {transform_indices = #map1}, {transform_indices = #map1}, {transform_indices = #map}, {transform_indices = #map1}]} {
    %mul3A = arith.constant 16 : i32
    %mul3A_0 = arith.muli %arg0, %mul3A : i32
    %add3A = arith.addi %mul3A_0, %arg1 : i32
    %mul3A_1 = arith.constant 640 : i32
    %mul3A_2 = arith.muli %arg1, %mul3A_1 : i32
    "tpu.region"() ({
      %run_scoped3A_35 = tpu.sem_alloc : memref<!tpu.dma_semaphore, #tpu.memory_space<semaphore_mem>>
      %dma_start3A_36 = arith.constant 0 : i32
      %dma_start3A_37 = tpu.memref_slice %arg11[%mul3A_2, %dma_start3A_36] : memref<10240x128xf32, #tpu.memory_space<vmem_shared>> -> memref<640x128xf32, #tpu.memory_space<vmem_shared>>
      tpu.enqueue_dma source(%arg5 : memref<640x128xf32, #tpu.memory_space<hbm>>) target(%dma_start3A_37 : memref<640x128xf32, #tpu.memory_space<vmem_shared>>) target_semaphore(%run_scoped3A_35 : memref<!tpu.dma_semaphore, #tpu.memory_space<semaphore_mem>>)
      %dma_wait3A_38 = arith.constant 0 : i32
      %dma_wait3A_39 = tpu.memref_slice %arg11[%mul3A_2, %dma_wait3A_38] : memref<10240x128xf32, #tpu.memory_space<vmem_shared>> -> memref<640x128xf32, #tpu.memory_space<vmem_shared>>
      tpu.wait_dma2 semaphore(%run_scoped3A_35 : memref<!tpu.dma_semaphore, #tpu.memory_space<semaphore_mem>>) src(%arg5 : memref<640x128xf32, #tpu.memory_space<hbm>>) dst(%dma_wait3A_39 : memref<640x128xf32, #tpu.memory_space<vmem_shared>>)
      tpu.yield
    }) : () -> ()
    "tpu.region"() ({
      %run_scoped3A_35 = tpu.sem_alloc : memref<!tpu.dma_semaphore, #tpu.memory_space<semaphore_mem>>
      %dma_start3A_36 = arith.constant 0 : i32
      %dma_start3A_37 = arith.constant 0 : i32
      %dma_start3A_38 = tpu.memref_slice %arg3[%add3A, %dma_start3A_36, %dma_start3A_37] : memref<32x40x128xi32, #tpu.memory_space<hbm>> -> memref<1x40x128xi32, #tpu.memory_space<hbm>>
      %dma_start3A_39 = tpu.memref_squeeze %dma_start3A_38 : memref<1x40x128xi32, #tpu.memory_space<hbm>> -> memref<40x128xi32, #tpu.memory_space<hbm>>
      %dma_start3A_40 = arith.constant 0 : i32
      %dma_start3A_41 = arith.constant 0 : i32
      %dma_start3A_42 = tpu.memref_slice %arg3[%add3A, %dma_start3A_40, %dma_start3A_41] : memref<32x40x128xi32, #tpu.memory_space<hbm>> -> memref<1x40x128xi32, #tpu.memory_space<hbm>>
      %dma_start3A_43 = tpu.memref_squeeze %dma_start3A_42 : memref<1x40x128xi32, #tpu.memory_space<hbm>> -> memref<40x128xi32, #tpu.memory_space<hbm>>
      tpu.enqueue_dma source(%dma_start3A_43 : memref<40x128xi32, #tpu.memory_space<hbm>>) target(%arg7 : memref<40x128xi32, #tpu.memory_space<vmem>>) target_semaphore(%run_scoped3A_35 : memref<!tpu.dma_semaphore, #tpu.memory_space<semaphore_mem>>)
      %dma_wait3A_44 = arith.constant 0 : i32
      %dma_wait3A_45 = arith.constant 0 : i32
      %dma_wait3A_46 = tpu.memref_slice %arg3[%add3A, %dma_wait3A_44, %dma_wait3A_45] : memref<32x40x128xi32, #tpu.memory_space<hbm>> -> memref<1x40x128xi32, #tpu.memory_space<hbm>>
      %dma_wait3A_47 = tpu.memref_squeeze %dma_wait3A_46 : memref<1x40x128xi32, #tpu.memory_space<hbm>> -> memref<40x128xi32, #tpu.memory_space<hbm>>
      %dma_wait3A_48 = arith.constant 0 : i32
      %dma_wait3A_49 = arith.constant 0 : i32
      %dma_wait3A_50 = tpu.memref_slice %arg3[%add3A, %dma_wait3A_48, %dma_wait3A_49] : memref<32x40x128xi32, #tpu.memory_space<hbm>> -> memref<1x40x128xi32, #tpu.memory_space<hbm>>
      %dma_wait3A_51 = tpu.memref_squeeze %dma_wait3A_50 : memref<1x40x128xi32, #tpu.memory_space<hbm>> -> memref<40x128xi32, #tpu.memory_space<hbm>>
      tpu.wait_dma2 semaphore(%run_scoped3A_35 : memref<!tpu.dma_semaphore, #tpu.memory_space<semaphore_mem>>) src(%dma_wait3A_51 : memref<40x128xi32, #tpu.memory_space<hbm>>) dst(%arg7 : memref<40x128xi32, #tpu.memory_space<vmem>>)
      tpu.yield
    }) : () -> ()
    "tpu.region"() ({
      %run_scoped3A_35 = tpu.sem_alloc : memref<!tpu.dma_semaphore, #tpu.memory_space<semaphore_mem>>
      %dma_start3A_36 = arith.constant 0 : i32
      %dma_start3A_37 = arith.constant 0 : i32
      %dma_start3A_38 = tpu.memref_slice %arg4[%add3A, %dma_start3A_36, %dma_start3A_37] : memref<32x40x128xi32, #tpu.memory_space<hbm>> -> memref<1x40x128xi32, #tpu.memory_space<hbm>>
      %dma_start3A_39 = tpu.memref_squeeze %dma_start3A_38 : memref<1x40x128xi32, #tpu.memory_space<hbm>> -> memref<40x128xi32, #tpu.memory_space<hbm>>
      %dma_start3A_40 = arith.constant 0 : i32
      %dma_start3A_41 = arith.constant 0 : i32
      %dma_start3A_42 = tpu.memref_slice %arg4[%add3A, %dma_start3A_40, %dma_start3A_41] : memref<32x40x128xi32, #tpu.memory_space<hbm>> -> memref<1x40x128xi32, #tpu.memory_space<hbm>>
      %dma_start3A_43 = tpu.memref_squeeze %dma_start3A_42 : memref<1x40x128xi32, #tpu.memory_space<hbm>> -> memref<40x128xi32, #tpu.memory_space<hbm>>
      tpu.enqueue_dma source(%dma_start3A_43 : memref<40x128xi32, #tpu.memory_space<hbm>>) target(%arg8 : memref<40x128xi32, #tpu.memory_space<vmem>>) target_semaphore(%run_scoped3A_35 : memref<!tpu.dma_semaphore, #tpu.memory_space<semaphore_mem>>)
      %dma_wait3A_44 = arith.constant 0 : i32
      %dma_wait3A_45 = arith.constant 0 : i32
      %dma_wait3A_46 = tpu.memref_slice %arg4[%add3A, %dma_wait3A_44, %dma_wait3A_45] : memref<32x40x128xi32, #tpu.memory_space<hbm>> -> memref<1x40x128xi32, #tpu.memory_space<hbm>>
      %dma_wait3A_47 = tpu.memref_squeeze %dma_wait3A_46 : memref<1x40x128xi32, #tpu.memory_space<hbm>> -> memref<40x128xi32, #tpu.memory_space<hbm>>
      %dma_wait3A_48 = arith.constant 0 : i32
      %dma_wait3A_49 = arith.constant 0 : i32
      %dma_wait3A_50 = tpu.memref_slice %arg4[%add3A, %dma_wait3A_48, %dma_wait3A_49] : memref<32x40x128xi32, #tpu.memory_space<hbm>> -> memref<1x40x128xi32, #tpu.memory_space<hbm>>
      %dma_wait3A_51 = tpu.memref_squeeze %dma_wait3A_50 : memref<1x40x128xi32, #tpu.memory_space<hbm>> -> memref<40x128xi32, #tpu.memory_space<hbm>>
      tpu.wait_dma2 semaphore(%run_scoped3A_35 : memref<!tpu.dma_semaphore, #tpu.memory_space<semaphore_mem>>) src(%dma_wait3A_51 : memref<40x128xi32, #tpu.memory_space<hbm>>) dst(%arg8 : memref<40x128xi32, #tpu.memory_space<vmem>>)
      tpu.yield
    }) : () -> ()
    %barrier3A = arith.constant 0 : index
    tpu.barrier barrier_id(%barrier3A)
    %dma_start3A = arith.constant 0 : i32
    %dma_start3A_3 = arith.constant 0 : i32
    %dma_start3A_4 = tpu.memref_slice %arg7[%dma_start3A, %dma_start3A_3] : memref<40x128xi32, #tpu.memory_space<vmem>> -> memref<1x128xi32, #tpu.memory_space<vmem>>
    %dma_start3A_5 = tpu.memref_squeeze %dma_start3A_4 : memref<1x128xi32, #tpu.memory_space<vmem>> -> memref<128xi32, #tpu.memory_space<vmem>>
    %dma_start3A_6 = arith.constant 0 : i32
    %dma_start3A_7 = arith.constant 0 : i32
    %dma_start3A_8 = tpu.memref_slice %arg2[%dma_start3A_6, %dma_start3A_7] : memref<10240x128xf32, #tpu.memory_space<hbm>> -> memref<10240x128xf32, #tpu.memory_space<hbm>>
    tpu.enqueue_indirect_dma source(%dma_start3A_8 : memref<10240x128xf32, #tpu.memory_space<hbm>>) target(%arg9 : memref<128x128xf32, #tpu.memory_space<vmem>>) offsets(%dma_start3A_5 : memref<128xi32, #tpu.memory_space<vmem>>) semaphore(%arg12 : memref<!tpu.dma_semaphore, #tpu.memory_space<semaphore_mem>>)
    %dma_start3A_9 = arith.constant 1 : i32
    %dma_start3A_10 = arith.constant 0 : i32
    %dma_start3A_11 = tpu.memref_slice %arg7[%dma_start3A_9, %dma_start3A_10] : memref<40x128xi32, #tpu.memory_space<vmem>> -> memref<1x128xi32, #tpu.memory_space<vmem>>
    %dma_start3A_12 = tpu.memref_squeeze %dma_start3A_11 : memref<1x128xi32, #tpu.memory_space<vmem>> -> memref<128xi32, #tpu.memory_space<vmem>>
    %dma_start3A_13 = arith.constant 0 : i32
    %dma_start3A_14 = arith.constant 0 : i32
    %dma_start3A_15 = tpu.memref_slice %arg2[%dma_start3A_13, %dma_start3A_14] : memref<10240x128xf32, #tpu.memory_space<hbm>> -> memref<10240x128xf32, #tpu.memory_space<hbm>>
    tpu.enqueue_indirect_dma source(%dma_start3A_15 : memref<10240x128xf32, #tpu.memory_space<hbm>>) target(%arg10 : memref<128x128xf32, #tpu.memory_space<vmem>>) offsets(%dma_start3A_12 : memref<128xi32, #tpu.memory_space<vmem>>) semaphore(%arg13 : memref<!tpu.dma_semaphore, #tpu.memory_space<semaphore_mem>>)
    %scan3A = arith.constant 0 : i32
    %scan3A_16 = arith.constant 19 : i32
    %scan3A_17 = arith.addi %scan3A, %scan3A_16 : i32
    %scan3A_18 = arith.constant 1 : i32
    scf.for %scan3A_35 = %scan3A to %scan3A_17 step %scan3A_18  : i32 {
      %mul3A_36 = arith.constant 2 : i32
      %mul3A_37 = arith.muli %scan3A_35, %mul3A_36 : i32
      %add3A_38 = arith.constant 0 : i32
      %add3A_39 = arith.addi %add3A_38, %mul3A_37 : i32
      %add3A_40 = arith.constant 0 : i32
      %add3A_41 = arith.addi %add3A_39, %add3A_40 : i32
      %dma_wait3A_42 = arith.constant 0 : i32
      %dma_wait3A_43 = tpu.memref_slice %arg7[%add3A_41, %dma_wait3A_42] : memref<40x128xi32, #tpu.memory_space<vmem>> -> memref<1x128xi32, #tpu.memory_space<vmem>>
      %dma_wait3A_44 = tpu.memref_squeeze %dma_wait3A_43 : memref<1x128xi32, #tpu.memory_space<vmem>> -> memref<128xi32, #tpu.memory_space<vmem>>
      %dma_wait3A_45 = arith.constant 0 : i32
      %dma_wait3A_46 = arith.constant 0 : i32
      %dma_wait3A_47 = tpu.memref_slice %arg2[%dma_wait3A_45, %dma_wait3A_46] : memref<10240x128xf32, #tpu.memory_space<hbm>> -> memref<10240x128xf32, #tpu.memory_space<hbm>>
      tpu.wait_indirect_dma semaphore(%arg12 : memref<!tpu.dma_semaphore, #tpu.memory_space<semaphore_mem>>) src(%dma_wait3A_47 : memref<10240x128xf32, #tpu.memory_space<hbm>>) dst(%arg9 : memref<128x128xf32, #tpu.memory_space<vmem>>)
      "tpu.region"() ({
        %run_scoped3A_72 = tpu.sem_alloc : memref<!tpu.dma_semaphore, #tpu.memory_space<semaphore_mem>>
        %dma_start3A_73 = arith.constant 0 : i32
        %dma_start3A_74 = tpu.memref_slice %arg8[%add3A_41, %dma_start3A_73] : memref<40x128xi32, #tpu.memory_space<vmem>> -> memref<1x128xi32, #tpu.memory_space<vmem>>
        %dma_start3A_75 = tpu.memref_squeeze %dma_start3A_74 : memref<1x128xi32, #tpu.memory_space<vmem>> -> memref<128xi32, #tpu.memory_space<vmem>>
        %dma_start3A_76 = arith.constant 0 : i32
        %dma_start3A_77 = arith.constant 0 : i32
        %dma_start3A_78 = tpu.memref_slice %arg11[%dma_start3A_76, %dma_start3A_77] : memref<10240x128xf32, #tpu.memory_space<vmem_shared>> -> memref<10240x128xf32, #tpu.memory_space<vmem_shared>>
        tpu.enqueue_indirect_dma source(%arg9 : memref<128x128xf32, #tpu.memory_space<vmem>>) target(%dma_start3A_78 : memref<10240x128xf32, #tpu.memory_space<vmem_shared>>) offsets(%dma_start3A_75 : memref<128xi32, #tpu.memory_space<vmem>>) semaphore(%run_scoped3A_72 : memref<!tpu.dma_semaphore, #tpu.memory_space<semaphore_mem>>) {add = true}
        %dma_wait3A_79 = arith.constant 0 : i32
        %dma_wait3A_80 = tpu.memref_slice %arg8[%add3A_41, %dma_wait3A_79] : memref<40x128xi32, #tpu.memory_space<vmem>> -> memref<1x128xi32, #tpu.memory_space<vmem>>
        %dma_wait3A_81 = tpu.memref_squeeze %dma_wait3A_80 : memref<1x128xi32, #tpu.memory_space<vmem>> -> memref<128xi32, #tpu.memory_space<vmem>>
        %dma_wait3A_82 = arith.constant 0 : i32
        %dma_wait3A_83 = arith.constant 0 : i32
        %dma_wait3A_84 = tpu.memref_slice %arg11[%dma_wait3A_82, %dma_wait3A_83] : memref<10240x128xf32, #tpu.memory_space<vmem_shared>> -> memref<10240x128xf32, #tpu.memory_space<vmem_shared>>
        tpu.wait_indirect_dma semaphore(%run_scoped3A_72 : memref<!tpu.dma_semaphore, #tpu.memory_space<semaphore_mem>>) src(%arg9 : memref<128x128xf32, #tpu.memory_space<vmem>>) dst(%dma_wait3A_84 : memref<10240x128xf32, #tpu.memory_space<vmem_shared>>)
        tpu.yield
      }) : () -> ()
      %add3A_48 = arith.constant 2 : i32
      %add3A_49 = arith.addi %add3A_41, %add3A_48 : i32
      %dma_start3A_50 = arith.constant 0 : i32
      %dma_start3A_51 = tpu.memref_slice %arg7[%add3A_49, %dma_start3A_50] : memref<40x128xi32, #tpu.memory_space<vmem>> -> memref<1x128xi32, #tpu.memory_space<vmem>>
      %dma_start3A_52 = tpu.memref_squeeze %dma_start3A_51 : memref<1x128xi32, #tpu.memory_space<vmem>> -> memref<128xi32, #tpu.memory_space<vmem>>
      %dma_start3A_53 = arith.constant 0 : i32
      %dma_start3A_54 = arith.constant 0 : i32
      %dma_start3A_55 = tpu.memref_slice %arg2[%dma_start3A_53, %dma_start3A_54] : memref<10240x128xf32, #tpu.memory_space<hbm>> -> memref<10240x128xf32, #tpu.memory_space<hbm>>
      tpu.enqueue_indirect_dma source(%dma_start3A_55 : memref<10240x128xf32, #tpu.memory_space<hbm>>) target(%arg9 : memref<128x128xf32, #tpu.memory_space<vmem>>) offsets(%dma_start3A_52 : memref<128xi32, #tpu.memory_space<vmem>>) semaphore(%arg12 : memref<!tpu.dma_semaphore, #tpu.memory_space<semaphore_mem>>)
      %add3A_56 = arith.constant 1 : i32
      %add3A_57 = arith.addi %add3A_39, %add3A_56 : i32
      %dma_wait3A_58 = arith.constant 0 : i32
      %dma_wait3A_59 = tpu.memref_slice %arg7[%add3A_57, %dma_wait3A_58] : memref<40x128xi32, #tpu.memory_space<vmem>> -> memref<1x128xi32, #tpu.memory_space<vmem>>
      %dma_wait3A_60 = tpu.memref_squeeze %dma_wait3A_59 : memref<1x128xi32, #tpu.memory_space<vmem>> -> memref<128xi32, #tpu.memory_space<vmem>>
      %dma_wait3A_61 = arith.constant 0 : i32
      %dma_wait3A_62 = arith.constant 0 : i32
      %dma_wait3A_63 = tpu.memref_slice %arg2[%dma_wait3A_61, %dma_wait3A_62] : memref<10240x128xf32, #tpu.memory_space<hbm>> -> memref<10240x128xf32, #tpu.memory_space<hbm>>
      tpu.wait_indirect_dma semaphore(%arg13 : memref<!tpu.dma_semaphore, #tpu.memory_space<semaphore_mem>>) src(%dma_wait3A_63 : memref<10240x128xf32, #tpu.memory_space<hbm>>) dst(%arg10 : memref<128x128xf32, #tpu.memory_space<vmem>>)
      "tpu.region"() ({
        %run_scoped3A_72 = tpu.sem_alloc : memref<!tpu.dma_semaphore, #tpu.memory_space<semaphore_mem>>
        %dma_start3A_73 = arith.constant 0 : i32
        %dma_start3A_74 = tpu.memref_slice %arg8[%add3A_57, %dma_start3A_73] : memref<40x128xi32, #tpu.memory_space<vmem>> -> memref<1x128xi32, #tpu.memory_space<vmem>>
        %dma_start3A_75 = tpu.memref_squeeze %dma_start3A_74 : memref<1x128xi32, #tpu.memory_space<vmem>> -> memref<128xi32, #tpu.memory_space<vmem>>
        %dma_start3A_76 = arith.constant 0 : i32
        %dma_start3A_77 = arith.constant 0 : i32
        %dma_start3A_78 = tpu.memref_slice %arg11[%dma_start3A_76, %dma_start3A_77] : memref<10240x128xf32, #tpu.memory_space<vmem_shared>> -> memref<10240x128xf32, #tpu.memory_space<vmem_shared>>
        tpu.enqueue_indirect_dma source(%arg10 : memref<128x128xf32, #tpu.memory_space<vmem>>) target(%dma_start3A_78 : memref<10240x128xf32, #tpu.memory_space<vmem_shared>>) offsets(%dma_start3A_75 : memref<128xi32, #tpu.memory_space<vmem>>) semaphore(%run_scoped3A_72 : memref<!tpu.dma_semaphore, #tpu.memory_space<semaphore_mem>>) {add = true}
        %dma_wait3A_79 = arith.constant 0 : i32
        %dma_wait3A_80 = tpu.memref_slice %arg8[%add3A_57, %dma_wait3A_79] : memref<40x128xi32, #tpu.memory_space<vmem>> -> memref<1x128xi32, #tpu.memory_space<vmem>>
        %dma_wait3A_81 = tpu.memref_squeeze %dma_wait3A_80 : memref<1x128xi32, #tpu.memory_space<vmem>> -> memref<128xi32, #tpu.memory_space<vmem>>
        %dma_wait3A_82 = arith.constant 0 : i32
        %dma_wait3A_83 = arith.constant 0 : i32
        %dma_wait3A_84 = tpu.memref_slice %arg11[%dma_wait3A_82, %dma_wait3A_83] : memref<10240x128xf32, #tpu.memory_space<vmem_shared>> -> memref<10240x128xf32, #tpu.memory_space<vmem_shared>>
        tpu.wait_indirect_dma semaphore(%run_scoped3A_72 : memref<!tpu.dma_semaphore, #tpu.memory_space<semaphore_mem>>) src(%arg10 : memref<128x128xf32, #tpu.memory_space<vmem>>) dst(%dma_wait3A_84 : memref<10240x128xf32, #tpu.memory_space<vmem_shared>>)
        tpu.yield
      }) : () -> ()
      %add3A_64 = arith.constant 2 : i32
      %add3A_65 = arith.addi %add3A_57, %add3A_64 : i32
      %dma_start3A_66 = arith.constant 0 : i32
      %dma_start3A_67 = tpu.memref_slice %arg7[%add3A_65, %dma_start3A_66] : memref<40x128xi32, #tpu.memory_space<vmem>> -> memref<1x128xi32, #tpu.memory_space<vmem>>
      %dma_start3A_68 = tpu.memref_squeeze %dma_start3A_67 : memref<1x128xi32, #tpu.memory_space<vmem>> -> memref<128xi32, #tpu.memory_space<vmem>>
      %dma_start3A_69 = arith.constant 0 : i32
      %dma_start3A_70 = arith.constant 0 : i32
      %dma_start3A_71 = tpu.memref_slice %arg2[%dma_start3A_69, %dma_start3A_70] : memref<10240x128xf32, #tpu.memory_space<hbm>> -> memref<10240x128xf32, #tpu.memory_space<hbm>>
      tpu.enqueue_indirect_dma source(%dma_start3A_71 : memref<10240x128xf32, #tpu.memory_space<hbm>>) target(%arg10 : memref<128x128xf32, #tpu.memory_space<vmem>>) offsets(%dma_start3A_68 : memref<128xi32, #tpu.memory_space<vmem>>) semaphore(%arg13 : memref<!tpu.dma_semaphore, #tpu.memory_space<semaphore_mem>>)
    }
    %scan3A_19 = arith.constant 19 : i32
    %dma_wait3A = arith.constant 38 : i32
    %dma_wait3A_20 = arith.constant 0 : i32
    %dma_wait3A_21 = tpu.memref_slice %arg7[%dma_wait3A, %dma_wait3A_20] : memref<40x128xi32, #tpu.memory_space<vmem>> -> memref<1x128xi32, #tpu.memory_space<vmem>>
    %dma_wait3A_22 = tpu.memref_squeeze %dma_wait3A_21 : memref<1x128xi32, #tpu.memory_space<vmem>> -> memref<128xi32, #tpu.memory_space<vmem>>
    %dma_wait3A_23 = arith.constant 0 : i32
    %dma_wait3A_24 = arith.constant 0 : i32
    %dma_wait3A_25 = tpu.memref_slice %arg2[%dma_wait3A_23, %dma_wait3A_24] : memref<10240x128xf32, #tpu.memory_space<hbm>> -> memref<10240x128xf32, #tpu.memory_space<hbm>>
    tpu.wait_indirect_dma semaphore(%arg12 : memref<!tpu.dma_semaphore, #tpu.memory_space<semaphore_mem>>) src(%dma_wait3A_25 : memref<10240x128xf32, #tpu.memory_space<hbm>>) dst(%arg9 : memref<128x128xf32, #tpu.memory_space<vmem>>)
    %run_scoped3A = arith.constant 38 : i32
    "tpu.region"() ({
      %run_scoped3A_35 = tpu.sem_alloc : memref<!tpu.dma_semaphore, #tpu.memory_space<semaphore_mem>>
      %dma_start3A_36 = arith.constant 0 : i32
      %dma_start3A_37 = tpu.memref_slice %arg8[%run_scoped3A, %dma_start3A_36] : memref<40x128xi32, #tpu.memory_space<vmem>> -> memref<1x128xi32, #tpu.memory_space<vmem>>
      %dma_start3A_38 = tpu.memref_squeeze %dma_start3A_37 : memref<1x128xi32, #tpu.memory_space<vmem>> -> memref<128xi32, #tpu.memory_space<vmem>>
      %dma_start3A_39 = arith.constant 0 : i32
      %dma_start3A_40 = arith.constant 0 : i32
      %dma_start3A_41 = tpu.memref_slice %arg11[%dma_start3A_39, %dma_start3A_40] : memref<10240x128xf32, #tpu.memory_space<vmem_shared>> -> memref<10240x128xf32, #tpu.memory_space<vmem_shared>>
      tpu.enqueue_indirect_dma source(%arg9 : memref<128x128xf32, #tpu.memory_space<vmem>>) target(%dma_start3A_41 : memref<10240x128xf32, #tpu.memory_space<vmem_shared>>) offsets(%dma_start3A_38 : memref<128xi32, #tpu.memory_space<vmem>>) semaphore(%run_scoped3A_35 : memref<!tpu.dma_semaphore, #tpu.memory_space<semaphore_mem>>) {add = true}
      %dma_wait3A_42 = arith.constant 0 : i32
      %dma_wait3A_43 = tpu.memref_slice %arg8[%run_scoped3A, %dma_wait3A_42] : memref<40x128xi32, #tpu.memory_space<vmem>> -> memref<1x128xi32, #tpu.memory_space<vmem>>
      %dma_wait3A_44 = tpu.memref_squeeze %dma_wait3A_43 : memref<1x128xi32, #tpu.memory_space<vmem>> -> memref<128xi32, #tpu.memory_space<vmem>>
      %dma_wait3A_45 = arith.constant 0 : i32
      %dma_wait3A_46 = arith.constant 0 : i32
      %dma_wait3A_47 = tpu.memref_slice %arg11[%dma_wait3A_45, %dma_wait3A_46] : memref<10240x128xf32, #tpu.memory_space<vmem_shared>> -> memref<10240x128xf32, #tpu.memory_space<vmem_shared>>
      tpu.wait_indirect_dma semaphore(%run_scoped3A_35 : memref<!tpu.dma_semaphore, #tpu.memory_space<semaphore_mem>>) src(%arg9 : memref<128x128xf32, #tpu.memory_space<vmem>>) dst(%dma_wait3A_47 : memref<10240x128xf32, #tpu.memory_space<vmem_shared>>)
      tpu.yield
    }) : () -> ()
    %dma_wait3A_26 = arith.constant 39 : i32
    %dma_wait3A_27 = arith.constant 0 : i32
    %dma_wait3A_28 = tpu.memref_slice %arg7[%dma_wait3A_26, %dma_wait3A_27] : memref<40x128xi32, #tpu.memory_space<vmem>> -> memref<1x128xi32, #tpu.memory_space<vmem>>
    %dma_wait3A_29 = tpu.memref_squeeze %dma_wait3A_28 : memref<1x128xi32, #tpu.memory_space<vmem>> -> memref<128xi32, #tpu.memory_space<vmem>>
    %dma_wait3A_30 = arith.constant 0 : i32
    %dma_wait3A_31 = arith.constant 0 : i32
    %dma_wait3A_32 = tpu.memref_slice %arg2[%dma_wait3A_30, %dma_wait3A_31] : memref<10240x128xf32, #tpu.memory_space<hbm>> -> memref<10240x128xf32, #tpu.memory_space<hbm>>
    tpu.wait_indirect_dma semaphore(%arg13 : memref<!tpu.dma_semaphore, #tpu.memory_space<semaphore_mem>>) src(%dma_wait3A_32 : memref<10240x128xf32, #tpu.memory_space<hbm>>) dst(%arg10 : memref<128x128xf32, #tpu.memory_space<vmem>>)
    %run_scoped3A_33 = arith.constant 39 : i32
    "tpu.region"() ({
      %run_scoped3A_35 = tpu.sem_alloc : memref<!tpu.dma_semaphore, #tpu.memory_space<semaphore_mem>>
      %dma_start3A_36 = arith.constant 0 : i32
      %dma_start3A_37 = tpu.memref_slice %arg8[%run_scoped3A_33, %dma_start3A_36] : memref<40x128xi32, #tpu.memory_space<vmem>> -> memref<1x128xi32, #tpu.memory_space<vmem>>
      %dma_start3A_38 = tpu.memref_squeeze %dma_start3A_37 : memref<1x128xi32, #tpu.memory_space<vmem>> -> memref<128xi32, #tpu.memory_space<vmem>>
      %dma_start3A_39 = arith.constant 0 : i32
      %dma_start3A_40 = arith.constant 0 : i32
      %dma_start3A_41 = tpu.memref_slice %arg11[%dma_start3A_39, %dma_start3A_40] : memref<10240x128xf32, #tpu.memory_space<vmem_shared>> -> memref<10240x128xf32, #tpu.memory_space<vmem_shared>>
      tpu.enqueue_indirect_dma source(%arg10 : memref<128x128xf32, #tpu.memory_space<vmem>>) target(%dma_start3A_41 : memref<10240x128xf32, #tpu.memory_space<vmem_shared>>) offsets(%dma_start3A_38 : memref<128xi32, #tpu.memory_space<vmem>>) semaphore(%run_scoped3A_35 : memref<!tpu.dma_semaphore, #tpu.memory_space<semaphore_mem>>) {add = true}
      %dma_wait3A_42 = arith.constant 0 : i32
      %dma_wait3A_43 = tpu.memref_slice %arg8[%run_scoped3A_33, %dma_wait3A_42] : memref<40x128xi32, #tpu.memory_space<vmem>> -> memref<1x128xi32, #tpu.memory_space<vmem>>
      %dma_wait3A_44 = tpu.memref_squeeze %dma_wait3A_43 : memref<1x128xi32, #tpu.memory_space<vmem>> -> memref<128xi32, #tpu.memory_space<vmem>>
      %dma_wait3A_45 = arith.constant 0 : i32
      %dma_wait3A_46 = arith.constant 0 : i32
      %dma_wait3A_47 = tpu.memref_slice %arg11[%dma_wait3A_45, %dma_wait3A_46] : memref<10240x128xf32, #tpu.memory_space<vmem_shared>> -> memref<10240x128xf32, #tpu.memory_space<vmem_shared>>
      tpu.wait_indirect_dma semaphore(%run_scoped3A_35 : memref<!tpu.dma_semaphore, #tpu.memory_space<semaphore_mem>>) src(%arg10 : memref<128x128xf32, #tpu.memory_space<vmem>>) dst(%dma_wait3A_47 : memref<10240x128xf32, #tpu.memory_space<vmem_shared>>)
      tpu.yield
    }) : () -> ()
    %barrier3A_34 = arith.constant 0 : index
    tpu.barrier barrier_id(%barrier3A_34)
    "tpu.region"() ({
      %run_scoped3A_35 = tpu.sem_alloc : memref<!tpu.dma_semaphore, #tpu.memory_space<semaphore_mem>>
      %dma_start3A_36 = arith.constant 0 : i32
      %dma_start3A_37 = tpu.memref_slice %arg6[%arg0, %mul3A_2, %dma_start3A_36] : memref<2x10240x128xf32, #tpu.memory_space<hbm>> -> memref<1x640x128xf32, #tpu.memory_space<hbm>>
      %dma_start3A_38 = tpu.memref_squeeze %dma_start3A_37 : memref<1x640x128xf32, #tpu.memory_space<hbm>> -> memref<640x128xf32, #tpu.memory_space<hbm>>
      %dma_start3A_39 = arith.constant 0 : i32
      %dma_start3A_40 = tpu.memref_slice %arg11[%mul3A_2, %dma_start3A_39] : memref<10240x128xf32, #tpu.memory_space<vmem_shared>> -> memref<640x128xf32, #tpu.memory_space<vmem_shared>>
      tpu.enqueue_dma source(%dma_start3A_40 : memref<640x128xf32, #tpu.memory_space<vmem_shared>>) target(%dma_start3A_38 : memref<640x128xf32, #tpu.memory_space<hbm>>) target_semaphore(%run_scoped3A_35 : memref<!tpu.dma_semaphore, #tpu.memory_space<semaphore_mem>>)
      %dma_wait3A_41 = arith.constant 0 : i32
      %dma_wait3A_42 = tpu.memref_slice %arg6[%arg0, %mul3A_2, %dma_wait3A_41] : memref<2x10240x128xf32, #tpu.memory_space<hbm>> -> memref<1x640x128xf32, #tpu.memory_space<hbm>>
      %dma_wait3A_43 = tpu.memref_squeeze %dma_wait3A_42 : memref<1x640x128xf32, #tpu.memory_space<hbm>> -> memref<640x128xf32, #tpu.memory_space<hbm>>
      %dma_wait3A_44 = arith.constant 0 : i32
      %dma_wait3A_45 = tpu.memref_slice %arg11[%mul3A_2, %dma_wait3A_44] : memref<10240x128xf32, #tpu.memory_space<vmem_shared>> -> memref<640x128xf32, #tpu.memory_space<vmem_shared>>
      tpu.wait_dma2 semaphore(%run_scoped3A_35 : memref<!tpu.dma_semaphore, #tpu.memory_space<semaphore_mem>>) src(%dma_wait3A_45 : memref<640x128xf32, #tpu.memory_space<vmem_shared>>) dst(%dma_wait3A_43 : memref<640x128xf32, #tpu.memory_space<hbm>>)
      tpu.yield
    }) : () -> ()
    return
  }
}

#map = affine_map<(d0, d1) -> (0, 0)>
#map1 = affine_map<(d0, d1) -> (0, 0, 0)>
module attributes {stable_mosaic.version = 14 : i64} {
  func.func @_edge_body(%arg0: i32, %arg1: i32, %arg2: memref<10240x128xf32, #tpu.memory_space<hbm>>, %arg3: memref<32x40x128xi32, #tpu.memory_space<hbm>>, %arg4: memref<32x40x128xi32, #tpu.memory_space<hbm>>, %arg5: memref<640x128xf32, #tpu.memory_space<hbm>>, %arg6: memref<2x10240x128xf32, #tpu.memory_space<hbm>>, %arg7: memref<40x128xi32, #tpu.memory_space<vmem>>, %arg8: memref<40x128xi32, #tpu.memory_space<vmem>>, %arg9: memref<128x128xf32, #tpu.memory_space<vmem>>, %arg10: memref<128x128xf32, #tpu.memory_space<vmem>>, %arg11: memref<10240x128xf32, #tpu.memory_space<vmem_shared>>, %arg12: memref<!tpu.dma_semaphore, #tpu.memory_space<semaphore_mem>>, %arg13: memref<!tpu.dma_semaphore, #tpu.memory_space<semaphore_mem>>) attributes {dimension_semantics = [#tpu.dimension_semantics<core_parallel>, #tpu.dimension_semantics<subcore_parallel>], iteration_bounds = array<i64: 2, 16>, scalar_prefetch = 0 : i64, scratch_operands = 7 : i64, tpu.core_type = #tpu.core_type<sc_vector_subcore>, window_params = [{transform_indices = #map}, {transform_indices = #map1}, {transform_indices = #map1}, {transform_indices = #map}, {transform_indices = #map1}]} {
    %mul3A = arith.constant 16 : i32
    %mul3A_0 = arith.muli %arg0, %mul3A : i32
    %add3A = arith.addi %mul3A_0, %arg1 : i32
    %mul3A_1 = arith.constant 640 : i32
    %mul3A_2 = arith.muli %arg1, %mul3A_1 : i32
    "tpu.region"() ({
      %run_scoped3A_35 = tpu.sem_alloc : memref<!tpu.dma_semaphore, #tpu.memory_space<semaphore_mem>>
      %dma_start3A_36 = arith.constant 0 : i32
      %dma_start3A_37 = tpu.memref_slice %arg11[%mul3A_2, %dma_start3A_36] : memref<10240x128xf32, #tpu.memory_space<vmem_shared>> -> memref<640x128xf32, #tpu.memory_space<vmem_shared>>
      tpu.enqueue_dma source(%arg5 : memref<640x128xf32, #tpu.memory_space<hbm>>) target(%dma_start3A_37 : memref<640x128xf32, #tpu.memory_space<vmem_shared>>) target_semaphore(%run_scoped3A_35 : memref<!tpu.dma_semaphore, #tpu.memory_space<semaphore_mem>>)
      %dma_wait3A_38 = arith.constant 0 : i32
      %dma_wait3A_39 = tpu.memref_slice %arg11[%mul3A_2, %dma_wait3A_38] : memref<10240x128xf32, #tpu.memory_space<vmem_shared>> -> memref<640x128xf32, #tpu.memory_space<vmem_shared>>
      tpu.wait_dma2 semaphore(%run_scoped3A_35 : memref<!tpu.dma_semaphore, #tpu.memory_space<semaphore_mem>>) src(%arg5 : memref<640x128xf32, #tpu.memory_space<hbm>>) dst(%dma_wait3A_39 : memref<640x128xf32, #tpu.memory_space<vmem_shared>>)
      tpu.yield
    }) : () -> ()
    "tpu.region"() ({
      %run_scoped3A_35 = tpu.sem_alloc : memref<!tpu.dma_semaphore, #tpu.memory_space<semaphore_mem>>
      %dma_start3A_36 = arith.constant 0 : i32
      %dma_start3A_37 = arith.constant 0 : i32
      %dma_start3A_38 = tpu.memref_slice %arg3[%add3A, %dma_start3A_36, %dma_start3A_37] : memref<32x40x128xi32, #tpu.memory_space<hbm>> -> memref<1x40x128xi32, #tpu.memory_space<hbm>>
      %dma_start3A_39 = tpu.memref_squeeze %dma_start3A_38 : memref<1x40x128xi32, #tpu.memory_space<hbm>> -> memref<40x128xi32, #tpu.memory_space<hbm>>
      %dma_start3A_40 = arith.constant 0 : i32
      %dma_start3A_41 = arith.constant 0 : i32
      %dma_start3A_42 = tpu.memref_slice %arg3[%add3A, %dma_start3A_40, %dma_start3A_41] : memref<32x40x128xi32, #tpu.memory_space<hbm>> -> memref<1x40x128xi32, #tpu.memory_space<hbm>>
      %dma_start3A_43 = tpu.memref_squeeze %dma_start3A_42 : memref<1x40x128xi32, #tpu.memory_space<hbm>> -> memref<40x128xi32, #tpu.memory_space<hbm>>
      tpu.enqueue_dma source(%dma_start3A_43 : memref<40x128xi32, #tpu.memory_space<hbm>>) target(%arg7 : memref<40x128xi32, #tpu.memory_space<vmem>>) target_semaphore(%run_scoped3A_35 : memref<!tpu.dma_semaphore, #tpu.memory_space<semaphore_mem>>)
      %dma_wait3A_44 = arith.constant 0 : i32
      %dma_wait3A_45 = arith.constant 0 : i32
      %dma_wait3A_46 = tpu.memref_slice %arg3[%add3A, %dma_wait3A_44, %dma_wait3A_45] : memref<32x40x128xi32, #tpu.memory_space<hbm>> -> memref<1x40x128xi32, #tpu.memory_space<hbm>>
      %dma_wait3A_47 = tpu.memref_squeeze %dma_wait3A_46 : memref<1x40x128xi32, #tpu.memory_space<hbm>> -> memref<40x128xi32, #tpu.memory_space<hbm>>
      %dma_wait3A_48 = arith.constant 0 : i32
      %dma_wait3A_49 = arith.constant 0 : i32
      %dma_wait3A_50 = tpu.memref_slice %arg3[%add3A, %dma_wait3A_48, %dma_wait3A_49] : memref<32x40x128xi32, #tpu.memory_space<hbm>> -> memref<1x40x128xi32, #tpu.memory_space<hbm>>
      %dma_wait3A_51 = tpu.memref_squeeze %dma_wait3A_50 : memref<1x40x128xi32, #tpu.memory_space<hbm>> -> memref<40x128xi32, #tpu.memory_space<hbm>>
      tpu.wait_dma2 semaphore(%run_scoped3A_35 : memref<!tpu.dma_semaphore, #tpu.memory_space<semaphore_mem>>) src(%dma_wait3A_51 : memref<40x128xi32, #tpu.memory_space<hbm>>) dst(%arg7 : memref<40x128xi32, #tpu.memory_space<vmem>>)
      tpu.yield
    }) : () -> ()
    "tpu.region"() ({
      %run_scoped3A_35 = tpu.sem_alloc : memref<!tpu.dma_semaphore, #tpu.memory_space<semaphore_mem>>
      %dma_start3A_36 = arith.constant 0 : i32
      %dma_start3A_37 = arith.constant 0 : i32
      %dma_start3A_38 = tpu.memref_slice %arg4[%add3A, %dma_start3A_36, %dma_start3A_37] : memref<32x40x128xi32, #tpu.memory_space<hbm>> -> memref<1x40x128xi32, #tpu.memory_space<hbm>>
      %dma_start3A_39 = tpu.memref_squeeze %dma_start3A_38 : memref<1x40x128xi32, #tpu.memory_space<hbm>> -> memref<40x128xi32, #tpu.memory_space<hbm>>
      %dma_start3A_40 = arith.constant 0 : i32
      %dma_start3A_41 = arith.constant 0 : i32
      %dma_start3A_42 = tpu.memref_slice %arg4[%add3A, %dma_start3A_40, %dma_start3A_41] : memref<32x40x128xi32, #tpu.memory_space<hbm>> -> memref<1x40x128xi32, #tpu.memory_space<hbm>>
      %dma_start3A_43 = tpu.memref_squeeze %dma_start3A_42 : memref<1x40x128xi32, #tpu.memory_space<hbm>> -> memref<40x128xi32, #tpu.memory_space<hbm>>
      tpu.enqueue_dma source(%dma_start3A_43 : memref<40x128xi32, #tpu.memory_space<hbm>>) target(%arg8 : memref<40x128xi32, #tpu.memory_space<vmem>>) target_semaphore(%run_scoped3A_35 : memref<!tpu.dma_semaphore, #tpu.memory_space<semaphore_mem>>)
      %dma_wait3A_44 = arith.constant 0 : i32
      %dma_wait3A_45 = arith.constant 0 : i32
      %dma_wait3A_46 = tpu.memref_slice %arg4[%add3A, %dma_wait3A_44, %dma_wait3A_45] : memref<32x40x128xi32, #tpu.memory_space<hbm>> -> memref<1x40x128xi32, #tpu.memory_space<hbm>>
      %dma_wait3A_47 = tpu.memref_squeeze %dma_wait3A_46 : memref<1x40x128xi32, #tpu.memory_space<hbm>> -> memref<40x128xi32, #tpu.memory_space<hbm>>
      %dma_wait3A_48 = arith.constant 0 : i32
      %dma_wait3A_49 = arith.constant 0 : i32
      %dma_wait3A_50 = tpu.memref_slice %arg4[%add3A, %dma_wait3A_48, %dma_wait3A_49] : memref<32x40x128xi32, #tpu.memory_space<hbm>> -> memref<1x40x128xi32, #tpu.memory_space<hbm>>
      %dma_wait3A_51 = tpu.memref_squeeze %dma_wait3A_50 : memref<1x40x128xi32, #tpu.memory_space<hbm>> -> memref<40x128xi32, #tpu.memory_space<hbm>>
      tpu.wait_dma2 semaphore(%run_scoped3A_35 : memref<!tpu.dma_semaphore, #tpu.memory_space<semaphore_mem>>) src(%dma_wait3A_51 : memref<40x128xi32, #tpu.memory_space<hbm>>) dst(%arg8 : memref<40x128xi32, #tpu.memory_space<vmem>>)
      tpu.yield
    }) : () -> ()
    %barrier3A = arith.constant 0 : index
    tpu.barrier barrier_id(%barrier3A)
    %dma_start3A = arith.constant 0 : i32
    %dma_start3A_3 = arith.constant 0 : i32
    %dma_start3A_4 = tpu.memref_slice %arg7[%dma_start3A, %dma_start3A_3] : memref<40x128xi32, #tpu.memory_space<vmem>> -> memref<1x128xi32, #tpu.memory_space<vmem>>
    %dma_start3A_5 = tpu.memref_squeeze %dma_start3A_4 : memref<1x128xi32, #tpu.memory_space<vmem>> -> memref<128xi32, #tpu.memory_space<vmem>>
    %dma_start3A_6 = arith.constant 0 : i32
    %dma_start3A_7 = arith.constant 0 : i32
    %dma_start3A_8 = tpu.memref_slice %arg2[%dma_start3A_6, %dma_start3A_7] : memref<10240x128xf32, #tpu.memory_space<hbm>> -> memref<10240x128xf32, #tpu.memory_space<hbm>>
    tpu.enqueue_indirect_dma source(%dma_start3A_8 : memref<10240x128xf32, #tpu.memory_space<hbm>>) target(%arg9 : memref<128x128xf32, #tpu.memory_space<vmem>>) offsets(%dma_start3A_5 : memref<128xi32, #tpu.memory_space<vmem>>) semaphore(%arg12 : memref<!tpu.dma_semaphore, #tpu.memory_space<semaphore_mem>>)
    %dma_start3A_9 = arith.constant 1 : i32
    %dma_start3A_10 = arith.constant 0 : i32
    %dma_start3A_11 = tpu.memref_slice %arg7[%dma_start3A_9, %dma_start3A_10] : memref<40x128xi32, #tpu.memory_space<vmem>> -> memref<1x128xi32, #tpu.memory_space<vmem>>
    %dma_start3A_12 = tpu.memref_squeeze %dma_start3A_11 : memref<1x128xi32, #tpu.memory_space<vmem>> -> memref<128xi32, #tpu.memory_space<vmem>>
    %dma_start3A_13 = arith.constant 0 : i32
    %dma_start3A_14 = arith.constant 0 : i32
    %dma_start3A_15 = tpu.memref_slice %arg2[%dma_start3A_13, %dma_start3A_14] : memref<10240x128xf32, #tpu.memory_space<hbm>> -> memref<10240x128xf32, #tpu.memory_space<hbm>>
    tpu.enqueue_indirect_dma source(%dma_start3A_15 : memref<10240x128xf32, #tpu.memory_space<hbm>>) target(%arg10 : memref<128x128xf32, #tpu.memory_space<vmem>>) offsets(%dma_start3A_12 : memref<128xi32, #tpu.memory_space<vmem>>) semaphore(%arg13 : memref<!tpu.dma_semaphore, #tpu.memory_space<semaphore_mem>>)
    %scan3A = arith.constant 0 : i32
    %scan3A_16 = arith.constant 19 : i32
    %scan3A_17 = arith.addi %scan3A, %scan3A_16 : i32
    %scan3A_18 = arith.constant 1 : i32
    scf.for %scan3A_35 = %scan3A to %scan3A_17 step %scan3A_18  : i32 {
      %mul3A_36 = arith.constant 2 : i32
      %mul3A_37 = arith.muli %scan3A_35, %mul3A_36 : i32
      %add3A_38 = arith.constant 0 : i32
      %add3A_39 = arith.addi %add3A_38, %mul3A_37 : i32
      %add3A_40 = arith.constant 0 : i32
      %add3A_41 = arith.addi %add3A_39, %add3A_40 : i32
      %dma_wait3A_42 = arith.constant 0 : i32
      %dma_wait3A_43 = tpu.memref_slice %arg7[%add3A_41, %dma_wait3A_42] : memref<40x128xi32, #tpu.memory_space<vmem>> -> memref<1x128xi32, #tpu.memory_space<vmem>>
      %dma_wait3A_44 = tpu.memref_squeeze %dma_wait3A_43 : memref<1x128xi32, #tpu.memory_space<vmem>> -> memref<128xi32, #tpu.memory_space<vmem>>
      %dma_wait3A_45 = arith.constant 0 : i32
      %dma_wait3A_46 = arith.constant 0 : i32
      %dma_wait3A_47 = tpu.memref_slice %arg2[%dma_wait3A_45, %dma_wait3A_46] : memref<10240x128xf32, #tpu.memory_space<hbm>> -> memref<10240x128xf32, #tpu.memory_space<hbm>>
      tpu.wait_indirect_dma semaphore(%arg12 : memref<!tpu.dma_semaphore, #tpu.memory_space<semaphore_mem>>) src(%dma_wait3A_47 : memref<10240x128xf32, #tpu.memory_space<hbm>>) dst(%arg9 : memref<128x128xf32, #tpu.memory_space<vmem>>)
      "tpu.region"() ({
        %run_scoped3A_72 = tpu.sem_alloc : memref<!tpu.dma_semaphore, #tpu.memory_space<semaphore_mem>>
        %dma_start3A_73 = arith.constant 0 : i32
        %dma_start3A_74 = tpu.memref_slice %arg8[%add3A_41, %dma_start3A_73] : memref<40x128xi32, #tpu.memory_space<vmem>> -> memref<1x128xi32, #tpu.memory_space<vmem>>
        %dma_start3A_75 = tpu.memref_squeeze %dma_start3A_74 : memref<1x128xi32, #tpu.memory_space<vmem>> -> memref<128xi32, #tpu.memory_space<vmem>>
        %dma_start3A_76 = arith.constant 0 : i32
        %dma_start3A_77 = arith.constant 0 : i32
        %dma_start3A_78 = tpu.memref_slice %arg11[%dma_start3A_76, %dma_start3A_77] : memref<10240x128xf32, #tpu.memory_space<vmem_shared>> -> memref<10240x128xf32, #tpu.memory_space<vmem_shared>>
        tpu.enqueue_indirect_dma source(%arg9 : memref<128x128xf32, #tpu.memory_space<vmem>>) target(%dma_start3A_78 : memref<10240x128xf32, #tpu.memory_space<vmem_shared>>) offsets(%dma_start3A_75 : memref<128xi32, #tpu.memory_space<vmem>>) semaphore(%run_scoped3A_72 : memref<!tpu.dma_semaphore, #tpu.memory_space<semaphore_mem>>) {add = true}
        %dma_wait3A_79 = arith.constant 0 : i32
        %dma_wait3A_80 = tpu.memref_slice %arg8[%add3A_41, %dma_wait3A_79] : memref<40x128xi32, #tpu.memory_space<vmem>> -> memref<1x128xi32, #tpu.memory_space<vmem>>
        %dma_wait3A_81 = tpu.memref_squeeze %dma_wait3A_80 : memref<1x128xi32, #tpu.memory_space<vmem>> -> memref<128xi32, #tpu.memory_space<vmem>>
        %dma_wait3A_82 = arith.constant 0 : i32
        %dma_wait3A_83 = arith.constant 0 : i32
        %dma_wait3A_84 = tpu.memref_slice %arg11[%dma_wait3A_82, %dma_wait3A_83] : memref<10240x128xf32, #tpu.memory_space<vmem_shared>> -> memref<10240x128xf32, #tpu.memory_space<vmem_shared>>
        tpu.wait_indirect_dma semaphore(%run_scoped3A_72 : memref<!tpu.dma_semaphore, #tpu.memory_space<semaphore_mem>>) src(%arg9 : memref<128x128xf32, #tpu.memory_space<vmem>>) dst(%dma_wait3A_84 : memref<10240x128xf32, #tpu.memory_space<vmem_shared>>)
        tpu.yield
      }) : () -> ()
      %add3A_48 = arith.constant 2 : i32
      %add3A_49 = arith.addi %add3A_41, %add3A_48 : i32
      %dma_start3A_50 = arith.constant 0 : i32
      %dma_start3A_51 = tpu.memref_slice %arg7[%add3A_49, %dma_start3A_50] : memref<40x128xi32, #tpu.memory_space<vmem>> -> memref<1x128xi32, #tpu.memory_space<vmem>>
      %dma_start3A_52 = tpu.memref_squeeze %dma_start3A_51 : memref<1x128xi32, #tpu.memory_space<vmem>> -> memref<128xi32, #tpu.memory_space<vmem>>
      %dma_start3A_53 = arith.constant 0 : i32
      %dma_start3A_54 = arith.constant 0 : i32
      %dma_start3A_55 = tpu.memref_slice %arg2[%dma_start3A_53, %dma_start3A_54] : memref<10240x128xf32, #tpu.memory_space<hbm>> -> memref<10240x128xf32, #tpu.memory_space<hbm>>
      tpu.enqueue_indirect_dma source(%dma_start3A_55 : memref<10240x128xf32, #tpu.memory_space<hbm>>) target(%arg9 : memref<128x128xf32, #tpu.memory_space<vmem>>) offsets(%dma_start3A_52 : memref<128xi32, #tpu.memory_space<vmem>>) semaphore(%arg12 : memref<!tpu.dma_semaphore, #tpu.memory_space<semaphore_mem>>)
      %add3A_56 = arith.constant 1 : i32
      %add3A_57 = arith.addi %add3A_39, %add3A_56 : i32
      %dma_wait3A_58 = arith.constant 0 : i32
      %dma_wait3A_59 = tpu.memref_slice %arg7[%add3A_57, %dma_wait3A_58] : memref<40x128xi32, #tpu.memory_space<vmem>> -> memref<1x128xi32, #tpu.memory_space<vmem>>
      %dma_wait3A_60 = tpu.memref_squeeze %dma_wait3A_59 : memref<1x128xi32, #tpu.memory_space<vmem>> -> memref<128xi32, #tpu.memory_space<vmem>>
      %dma_wait3A_61 = arith.constant 0 : i32
      %dma_wait3A_62 = arith.constant 0 : i32
      %dma_wait3A_63 = tpu.memref_slice %arg2[%dma_wait3A_61, %dma_wait3A_62] : memref<10240x128xf32, #tpu.memory_space<hbm>> -> memref<10240x128xf32, #tpu.memory_space<hbm>>
      tpu.wait_indirect_dma semaphore(%arg13 : memref<!tpu.dma_semaphore, #tpu.memory_space<semaphore_mem>>) src(%dma_wait3A_63 : memref<10240x128xf32, #tpu.memory_space<hbm>>) dst(%arg10 : memref<128x128xf32, #tpu.memory_space<vmem>>)
      "tpu.region"() ({
        %run_scoped3A_72 = tpu.sem_alloc : memref<!tpu.dma_semaphore, #tpu.memory_space<semaphore_mem>>
        %dma_start3A_73 = arith.constant 0 : i32
        %dma_start3A_74 = tpu.memref_slice %arg8[%add3A_57, %dma_start3A_73] : memref<40x128xi32, #tpu.memory_space<vmem>> -> memref<1x128xi32, #tpu.memory_space<vmem>>
        %dma_start3A_75 = tpu.memref_squeeze %dma_start3A_74 : memref<1x128xi32, #tpu.memory_space<vmem>> -> memref<128xi32, #tpu.memory_space<vmem>>
        %dma_start3A_76 = arith.constant 0 : i32
        %dma_start3A_77 = arith.constant 0 : i32
        %dma_start3A_78 = tpu.memref_slice %arg11[%dma_start3A_76, %dma_start3A_77] : memref<10240x128xf32, #tpu.memory_space<vmem_shared>> -> memref<10240x128xf32, #tpu.memory_space<vmem_shared>>
        tpu.enqueue_indirect_dma source(%arg10 : memref<128x128xf32, #tpu.memory_space<vmem>>) target(%dma_start3A_78 : memref<10240x128xf32, #tpu.memory_space<vmem_shared>>) offsets(%dma_start3A_75 : memref<128xi32, #tpu.memory_space<vmem>>) semaphore(%run_scoped3A_72 : memref<!tpu.dma_semaphore, #tpu.memory_space<semaphore_mem>>) {add = true}
        %dma_wait3A_79 = arith.constant 0 : i32
        %dma_wait3A_80 = tpu.memref_slice %arg8[%add3A_57, %dma_wait3A_79] : memref<40x128xi32, #tpu.memory_space<vmem>> -> memref<1x128xi32, #tpu.memory_space<vmem>>
        %dma_wait3A_81 = tpu.memref_squeeze %dma_wait3A_80 : memref<1x128xi32, #tpu.memory_space<vmem>> -> memref<128xi32, #tpu.memory_space<vmem>>
        %dma_wait3A_82 = arith.constant 0 : i32
        %dma_wait3A_83 = arith.constant 0 : i32
        %dma_wait3A_84 = tpu.memref_slice %arg11[%dma_wait3A_82, %dma_wait3A_83] : memref<10240x128xf32, #tpu.memory_space<vmem_shared>> -> memref<10240x128xf32, #tpu.memory_space<vmem_shared>>
        tpu.wait_indirect_dma semaphore(%run_scoped3A_72 : memref<!tpu.dma_semaphore, #tpu.memory_space<semaphore_mem>>) src(%arg10 : memref<128x128xf32, #tpu.memory_space<vmem>>) dst(%dma_wait3A_84 : memref<10240x128xf32, #tpu.memory_space<vmem_shared>>)
        tpu.yield
      }) : () -> ()
      %add3A_64 = arith.constant 2 : i32
      %add3A_65 = arith.addi %add3A_57, %add3A_64 : i32
      %dma_start3A_66 = arith.constant 0 : i32
      %dma_start3A_67 = tpu.memref_slice %arg7[%add3A_65, %dma_start3A_66] : memref<40x128xi32, #tpu.memory_space<vmem>> -> memref<1x128xi32, #tpu.memory_space<vmem>>
      %dma_start3A_68 = tpu.memref_squeeze %dma_start3A_67 : memref<1x128xi32, #tpu.memory_space<vmem>> -> memref<128xi32, #tpu.memory_space<vmem>>
      %dma_start3A_69 = arith.constant 0 : i32
      %dma_start3A_70 = arith.constant 0 : i32
      %dma_start3A_71 = tpu.memref_slice %arg2[%dma_start3A_69, %dma_start3A_70] : memref<10240x128xf32, #tpu.memory_space<hbm>> -> memref<10240x128xf32, #tpu.memory_space<hbm>>
      tpu.enqueue_indirect_dma source(%dma_start3A_71 : memref<10240x128xf32, #tpu.memory_space<hbm>>) target(%arg10 : memref<128x128xf32, #tpu.memory_space<vmem>>) offsets(%dma_start3A_68 : memref<128xi32, #tpu.memory_space<vmem>>) semaphore(%arg13 : memref<!tpu.dma_semaphore, #tpu.memory_space<semaphore_mem>>)
    }
    %scan3A_19 = arith.constant 19 : i32
    %dma_wait3A = arith.constant 38 : i32
    %dma_wait3A_20 = arith.constant 0 : i32
    %dma_wait3A_21 = tpu.memref_slice %arg7[%dma_wait3A, %dma_wait3A_20] : memref<40x128xi32, #tpu.memory_space<vmem>> -> memref<1x128xi32, #tpu.memory_space<vmem>>
    %dma_wait3A_22 = tpu.memref_squeeze %dma_wait3A_21 : memref<1x128xi32, #tpu.memory_space<vmem>> -> memref<128xi32, #tpu.memory_space<vmem>>
    %dma_wait3A_23 = arith.constant 0 : i32
    %dma_wait3A_24 = arith.constant 0 : i32
    %dma_wait3A_25 = tpu.memref_slice %arg2[%dma_wait3A_23, %dma_wait3A_24] : memref<10240x128xf32, #tpu.memory_space<hbm>> -> memref<10240x128xf32, #tpu.memory_space<hbm>>
    tpu.wait_indirect_dma semaphore(%arg12 : memref<!tpu.dma_semaphore, #tpu.memory_space<semaphore_mem>>) src(%dma_wait3A_25 : memref<10240x128xf32, #tpu.memory_space<hbm>>) dst(%arg9 : memref<128x128xf32, #tpu.memory_space<vmem>>)
    %run_scoped3A = arith.constant 38 : i32
    "tpu.region"() ({
      %run_scoped3A_35 = tpu.sem_alloc : memref<!tpu.dma_semaphore, #tpu.memory_space<semaphore_mem>>
      %dma_start3A_36 = arith.constant 0 : i32
      %dma_start3A_37 = tpu.memref_slice %arg8[%run_scoped3A, %dma_start3A_36] : memref<40x128xi32, #tpu.memory_space<vmem>> -> memref<1x128xi32, #tpu.memory_space<vmem>>
      %dma_start3A_38 = tpu.memref_squeeze %dma_start3A_37 : memref<1x128xi32, #tpu.memory_space<vmem>> -> memref<128xi32, #tpu.memory_space<vmem>>
      %dma_start3A_39 = arith.constant 0 : i32
      %dma_start3A_40 = arith.constant 0 : i32
      %dma_start3A_41 = tpu.memref_slice %arg11[%dma_start3A_39, %dma_start3A_40] : memref<10240x128xf32, #tpu.memory_space<vmem_shared>> -> memref<10240x128xf32, #tpu.memory_space<vmem_shared>>
      tpu.enqueue_indirect_dma source(%arg9 : memref<128x128xf32, #tpu.memory_space<vmem>>) target(%dma_start3A_41 : memref<10240x128xf32, #tpu.memory_space<vmem_shared>>) offsets(%dma_start3A_38 : memref<128xi32, #tpu.memory_space<vmem>>) semaphore(%run_scoped3A_35 : memref<!tpu.dma_semaphore, #tpu.memory_space<semaphore_mem>>) {add = true}
      %dma_wait3A_42 = arith.constant 0 : i32
      %dma_wait3A_43 = tpu.memref_slice %arg8[%run_scoped3A, %dma_wait3A_42] : memref<40x128xi32, #tpu.memory_space<vmem>> -> memref<1x128xi32, #tpu.memory_space<vmem>>
      %dma_wait3A_44 = tpu.memref_squeeze %dma_wait3A_43 : memref<1x128xi32, #tpu.memory_space<vmem>> -> memref<128xi32, #tpu.memory_space<vmem>>
      %dma_wait3A_45 = arith.constant 0 : i32
      %dma_wait3A_46 = arith.constant 0 : i32
      %dma_wait3A_47 = tpu.memref_slice %arg11[%dma_wait3A_45, %dma_wait3A_46] : memref<10240x128xf32, #tpu.memory_space<vmem_shared>> -> memref<10240x128xf32, #tpu.memory_space<vmem_shared>>
      tpu.wait_indirect_dma semaphore(%run_scoped3A_35 : memref<!tpu.dma_semaphore, #tpu.memory_space<semaphore_mem>>) src(%arg9 : memref<128x128xf32, #tpu.memory_space<vmem>>) dst(%dma_wait3A_47 : memref<10240x128xf32, #tpu.memory_space<vmem_shared>>)
      tpu.yield
    }) : () -> ()
    %dma_wait3A_26 = arith.constant 39 : i32
    %dma_wait3A_27 = arith.constant 0 : i32
    %dma_wait3A_28 = tpu.memref_slice %arg7[%dma_wait3A_26, %dma_wait3A_27] : memref<40x128xi32, #tpu.memory_space<vmem>> -> memref<1x128xi32, #tpu.memory_space<vmem>>
    %dma_wait3A_29 = tpu.memref_squeeze %dma_wait3A_28 : memref<1x128xi32, #tpu.memory_space<vmem>> -> memref<128xi32, #tpu.memory_space<vmem>>
    %dma_wait3A_30 = arith.constant 0 : i32
    %dma_wait3A_31 = arith.constant 0 : i32
    %dma_wait3A_32 = tpu.memref_slice %arg2[%dma_wait3A_30, %dma_wait3A_31] : memref<10240x128xf32, #tpu.memory_space<hbm>> -> memref<10240x128xf32, #tpu.memory_space<hbm>>
    tpu.wait_indirect_dma semaphore(%arg13 : memref<!tpu.dma_semaphore, #tpu.memory_space<semaphore_mem>>) src(%dma_wait3A_32 : memref<10240x128xf32, #tpu.memory_space<hbm>>) dst(%arg10 : memref<128x128xf32, #tpu.memory_space<vmem>>)
    %run_scoped3A_33 = arith.constant 39 : i32
    "tpu.region"() ({
      %run_scoped3A_35 = tpu.sem_alloc : memref<!tpu.dma_semaphore, #tpu.memory_space<semaphore_mem>>
      %dma_start3A_36 = arith.constant 0 : i32
      %dma_start3A_37 = tpu.memref_slice %arg8[%run_scoped3A_33, %dma_start3A_36] : memref<40x128xi32, #tpu.memory_space<vmem>> -> memref<1x128xi32, #tpu.memory_space<vmem>>
      %dma_start3A_38 = tpu.memref_squeeze %dma_start3A_37 : memref<1x128xi32, #tpu.memory_space<vmem>> -> memref<128xi32, #tpu.memory_space<vmem>>
      %dma_start3A_39 = arith.constant 0 : i32
      %dma_start3A_40 = arith.constant 0 : i32
      %dma_start3A_41 = tpu.memref_slice %arg11[%dma_start3A_39, %dma_start3A_40] : memref<10240x128xf32, #tpu.memory_space<vmem_shared>> -> memref<10240x128xf32, #tpu.memory_space<vmem_shared>>
      tpu.enqueue_indirect_dma source(%arg10 : memref<128x128xf32, #tpu.memory_space<vmem>>) target(%dma_start3A_41 : memref<10240x128xf32, #tpu.memory_space<vmem_shared>>) offsets(%dma_start3A_38 : memref<128xi32, #tpu.memory_space<vmem>>) semaphore(%run_scoped3A_35 : memref<!tpu.dma_semaphore, #tpu.memory_space<semaphore_mem>>) {add = true}
      %dma_wait3A_42 = arith.constant 0 : i32
      %dma_wait3A_43 = tpu.memref_slice %arg8[%run_scoped3A_33, %dma_wait3A_42] : memref<40x128xi32, #tpu.memory_space<vmem>> -> memref<1x128xi32, #tpu.memory_space<vmem>>
      %dma_wait3A_44 = tpu.memref_squeeze %dma_wait3A_43 : memref<1x128xi32, #tpu.memory_space<vmem>> -> memref<128xi32, #tpu.memory_space<vmem>>
      %dma_wait3A_45 = arith.constant 0 : i32
      %dma_wait3A_46 = arith.constant 0 : i32
      %dma_wait3A_47 = tpu.memref_slice %arg11[%dma_wait3A_45, %dma_wait3A_46] : memref<10240x128xf32, #tpu.memory_space<vmem_shared>> -> memref<10240x128xf32, #tpu.memory_space<vmem_shared>>
      tpu.wait_indirect_dma semaphore(%run_scoped3A_35 : memref<!tpu.dma_semaphore, #tpu.memory_space<semaphore_mem>>) src(%arg10 : memref<128x128xf32, #tpu.memory_space<vmem>>) dst(%dma_wait3A_47 : memref<10240x128xf32, #tpu.memory_space<vmem_shared>>)
      tpu.yield
    }) : () -> ()
    %barrier3A_34 = arith.constant 0 : index
    tpu.barrier barrier_id(%barrier3A_34)
    "tpu.region"() ({
      %run_scoped3A_35 = tpu.sem_alloc : memref<!tpu.dma_semaphore, #tpu.memory_space<semaphore_mem>>
      %dma_start3A_36 = arith.constant 0 : i32
      %dma_start3A_37 = tpu.memref_slice %arg6[%arg0, %mul3A_2, %dma_start3A_36] : memref<2x10240x128xf32, #tpu.memory_space<hbm>> -> memref<1x640x128xf32, #tpu.memory_space<hbm>>
      %dma_start3A_38 = tpu.memref_squeeze %dma_start3A_37 : memref<1x640x128xf32, #tpu.memory_space<hbm>> -> memref<640x128xf32, #tpu.memory_space<hbm>>
      %dma_start3A_39 = arith.constant 0 : i32
      %dma_start3A_40 = tpu.memref_slice %arg11[%mul3A_2, %dma_start3A_39] : memref<10240x128xf32, #tpu.memory_space<vmem_shared>> -> memref<640x128xf32, #tpu.memory_space<vmem_shared>>
      tpu.enqueue_dma source(%dma_start3A_40 : memref<640x128xf32, #tpu.memory_space<vmem_shared>>) target(%dma_start3A_38 : memref<640x128xf32, #tpu.memory_space<hbm>>) target_semaphore(%run_scoped3A_35 : memref<!tpu.dma_semaphore, #tpu.memory_space<semaphore_mem>>)
      %dma_wait3A_41 = arith.constant 0 : i32
      %dma_wait3A_42 = tpu.memref_slice %arg6[%arg0, %mul3A_2, %dma_wait3A_41] : memref<2x10240x128xf32, #tpu.memory_space<hbm>> -> memref<1x640x128xf32, #tpu.memory_space<hbm>>
      %dma_wait3A_43 = tpu.memref_squeeze %dma_wait3A_42 : memref<1x640x128xf32, #tpu.memory_space<hbm>> -> memref<640x128xf32, #tpu.memory_space<hbm>>
      %dma_wait3A_44 = arith.constant 0 : i32
      %dma_wait3A_45 = tpu.memref_slice %arg11[%mul3A_2, %dma_wait3A_44] : memref<10240x128xf32, #tpu.memory_space<vmem_shared>> -> memref<640x128xf32, #tpu.memory_space<vmem_shared>>
      tpu.wait_dma2 semaphore(%run_scoped3A_35 : memref<!tpu.dma_semaphore, #tpu.memory_space<semaphore_mem>>) src(%dma_wait3A_45 : memref<640x128xf32, #tpu.memory_space<vmem_shared>>) dst(%dma_wait3A_43 : memref<640x128xf32, #tpu.memory_space<hbm>>)
      tpu.yield
    }) : () -> ()
    return
  }
}

module attributes {stable_mosaic.version = 14 : i64} {
  func.func @_mm_scale_body(%arg0: i32, %arg1: memref<2048x256xf32, #tpu.memory_space<vmem>>, %arg2: memref<256x128xf32, #tpu.memory_space<vmem>>, %arg3: memref<2x2048xf32, #tpu.memory_space<vmem>>, %arg4: memref<2048x128xf32, #tpu.memory_space<vmem>>) attributes {dimension_semantics = [#tpu.dimension_semantics<arbitrary>], iteration_bounds = array<i64: 5>, scalar_prefetch = 0 : i64, scratch_operands = 0 : i64, tpu.core_type = #tpu.core_type<tc>, window_params = [{transform_indices = @transform_0, window_bounds = array<i64: 2048, 256>}, {pipeline_mode = #tpu.pipeline_mode<synchronous>, transform_indices = @transform_1, window_bounds = array<i64: 256, 128>}, {transform_indices = @transform_2, window_bounds = array<i64: 2, 2048>}, {transform_indices = @transform_3, window_bounds = array<i64: 2048, 128>}]} {
    %get3A = arith.constant 0 : index
    %get3A_0 = arith.constant 0 : index
    %get3A_1 = vector.load %arg3[%get3A, %get3A_0] : memref<2x2048xf32, #tpu.memory_space<vmem>>, vector<1x2048xf32>
    %get3A_2 = vector.shape_cast %get3A_1 : vector<1x2048xf32> to vector<2048xf32>
    %get3A_3 = arith.constant 1 : index
    %get3A_4 = arith.constant 0 : index
    %get3A_5 = vector.load %arg3[%get3A_3, %get3A_4] : memref<2x2048xf32, #tpu.memory_space<vmem>>, vector<1x2048xf32>
    %get3A_6 = vector.shape_cast %get3A_5 : vector<1x2048xf32> to vector<2048xf32>
    %add3A = arith.addf %get3A_2, %get3A_6 : vector<2048xf32>
    %add3A_7 = arith.constant 1.000000e+00 : f32
    %add3A_8 = vector.broadcast %add3A_7 : f32 to vector<2048xf32>
    %add3A_9 = arith.addf %add3A, %add3A_8 : vector<2048xf32>
    %sqrt3A = math.sqrt %add3A_9 : vector<2048xf32>
    %div3A = arith.constant 1.000000e+00 : f32
    %div3A_10 = vector.broadcast %div3A : f32 to vector<2048xf32>
    %div3A_11 = arith.divf %div3A_10, %sqrt3A : vector<2048xf32>
    %get3A_12 = arith.constant 0 : index
    %get3A_13 = arith.constant 0 : index
    %get3A_14 = vector.load %arg1[%get3A_12, %get3A_13] : memref<2048x256xf32, #tpu.memory_space<vmem>>, vector<2048x256xf32>
    %get3A_15 = arith.constant 0 : index
    %get3A_16 = arith.constant 0 : index
    %get3A_17 = vector.load %arg2[%get3A_15, %get3A_16] : memref<256x128xf32, #tpu.memory_space<vmem>>, vector<256x128xf32>
    %dot_general3A = arith.constant dense<0.000000e+00> : vector<2048x128xf32>
    %dot_general3A_18 = tpu.matmul %get3A_14, %get3A_17, %dot_general3A {dimension_numbers = #tpu.dot_dimension_numbers<[1], [0], [0], [1], [0, 0, 1, 1], [], []>, precision = #tpu.contract_precision<fp32>, transpose_lhs_hint = false} : vector<2048x256xf32>, vector<256x128xf32>, vector<2048x128xf32> -> vector<2048x128xf32>
    %broadcast_in_dim3A = vector.shape_cast %div3A_11 : vector<2048xf32> to vector<2048x1xf32>
    %mul3A = vector.broadcast %broadcast_in_dim3A : vector<2048x1xf32> to vector<2048x128xf32>
    %mul3A_19 = arith.mulf %dot_general3A_18, %mul3A : vector<2048x128xf32>
    %swap3A = arith.constant 0 : index
    %swap3A_20 = arith.constant 0 : index
    %swap3A_21 = vector.load %arg4[%swap3A, %swap3A_20] : memref<2048x128xf32, #tpu.memory_space<vmem>>, vector<2048x128xf32>
    tpu.vector_store %arg4[%swap3A, %swap3A_20], %mul3A_19 {strides = array<i32>} : memref<2048x128xf32, #tpu.memory_space<vmem>>, vector<2048x128xf32>,
    return
  }
  func.func @transform_0(%arg0: i32) -> (i32, i32) {
    %c0_i32 = arith.constant 0 : i32
    %c0_i32_0 = arith.constant 0 : i32
    return %arg0, %c0_i32 : i32, i32
  }
  func.func @transform_1(%arg0: i32) -> (i32, i32) {
    %c0_i32 = arith.constant 0 : i32
    %c0_i32_0 = arith.constant 0 : i32
    %c0_i32_1 = arith.constant 0 : i32
    return %c0_i32, %c0_i32_0 : i32, i32
  }
  func.func @transform_2(%arg0: i32) -> (i32, i32) {
    %c0_i32 = arith.constant 0 : i32
    %c0_i32_0 = arith.constant 0 : i32
    return %c0_i32, %arg0 : i32, i32
  }
  func.func @transform_3(%arg0: i32) -> (i32, i32) {
    %c0_i32 = arith.constant 0 : i32
    %c0_i32_0 = arith.constant 0 : i32
    return %arg0, %c0_i32 : i32, i32
  }
}

module attributes {stable_mosaic.version = 14 : i64} {
  func.func @_combine_body(%arg0: i32, %arg1: memref<2x2048x128xf32, #tpu.memory_space<vmem>>, %arg2: memref<2048x128xf32, #tpu.memory_space<vmem>>, %arg3: memref<2x2048xf32, #tpu.memory_space<vmem>>, %arg4: memref<8x128xf32, #tpu.memory_space<vmem>>, %arg5: memref<128x128xf32, #tpu.memory_space<vmem>>, %arg6: memref<2048x128xf32, #tpu.memory_space<vmem>>) attributes {dimension_semantics = [#tpu.dimension_semantics<arbitrary>], iteration_bounds = array<i64: 5>, scalar_prefetch = 0 : i64, scratch_operands = 0 : i64, tpu.core_type = #tpu.core_type<tc>, window_params = [{transform_indices = @transform_0, window_bounds = array<i64: 2, 2048, 128>}, {transform_indices = @transform_1, window_bounds = array<i64: 2048, 128>}, {transform_indices = @transform_2, window_bounds = array<i64: 2, 2048>}, {pipeline_mode = #tpu.pipeline_mode<synchronous>, transform_indices = @transform_3, window_bounds = array<i64: 8, 128>}, {pipeline_mode = #tpu.pipeline_mode<synchronous>, transform_indices = @transform_4, window_bounds = array<i64: 128, 128>}, {transform_indices = @transform_5, window_bounds = array<i64: 2048, 128>}]} {
    %get3A = arith.constant 0 : index
    %get3A_0 = arith.constant 0 : index
    %get3A_1 = vector.load %arg3[%get3A, %get3A_0] : memref<2x2048xf32, #tpu.memory_space<vmem>>, vector<1x2048xf32>
    %get3A_2 = vector.shape_cast %get3A_1 : vector<1x2048xf32> to vector<2048xf32>
    %get3A_3 = arith.constant 1 : index
    %get3A_4 = arith.constant 0 : index
    %get3A_5 = vector.load %arg3[%get3A_3, %get3A_4] : memref<2x2048xf32, #tpu.memory_space<vmem>>, vector<1x2048xf32>
    %get3A_6 = vector.shape_cast %get3A_5 : vector<1x2048xf32> to vector<2048xf32>
    %add3A = arith.addf %get3A_2, %get3A_6 : vector<2048xf32>
    %add3A_7 = arith.constant 1.000000e+00 : f32
    %add3A_8 = vector.broadcast %add3A_7 : f32 to vector<2048xf32>
    %add3A_9 = arith.addf %add3A, %add3A_8 : vector<2048xf32>
    %sqrt3A = math.sqrt %add3A_9 : vector<2048xf32>
    %div3A = arith.constant 1.000000e+00 : f32
    %div3A_10 = vector.broadcast %div3A : f32 to vector<2048xf32>
    %div3A_11 = arith.divf %div3A_10, %sqrt3A : vector<2048xf32>
    %get3A_12 = arith.constant 0 : index
    %get3A_13 = arith.constant 0 : index
    %get3A_14 = arith.constant 0 : index
    %get3A_15 = vector.load %arg1[%get3A_12, %get3A_13, %get3A_14] : memref<2x2048x128xf32, #tpu.memory_space<vmem>>, vector<1x2048x128xf32>
    %get3A_16 = vector.shape_cast %get3A_15 : vector<1x2048x128xf32> to vector<2048x128xf32>
    %get3A_17 = arith.constant 1 : index
    %get3A_18 = arith.constant 0 : index
    %get3A_19 = arith.constant 0 : index
    %get3A_20 = vector.load %arg1[%get3A_17, %get3A_18, %get3A_19] : memref<2x2048x128xf32, #tpu.memory_space<vmem>>, vector<1x2048x128xf32>
    %get3A_21 = vector.shape_cast %get3A_20 : vector<1x2048x128xf32> to vector<2048x128xf32>
    %add3A_22 = arith.addf %get3A_16, %get3A_21 : vector<2048x128xf32>
    %get3A_23 = arith.constant 0 : index
    %get3A_24 = arith.constant 0 : index
    %get3A_25 = vector.load %arg2[%get3A_23, %get3A_24] : memref<2048x128xf32, #tpu.memory_space<vmem>>, vector<2048x128xf32>
    %add3A_26 = arith.addf %add3A_22, %get3A_25 : vector<2048x128xf32>
    %broadcast_in_dim3A = vector.shape_cast %div3A_11 : vector<2048xf32> to vector<2048x1xf32>
    %mul3A = vector.broadcast %broadcast_in_dim3A : vector<2048x1xf32> to vector<2048x128xf32>
    %mul3A_27 = arith.mulf %mul3A, %add3A_26 : vector<2048x128xf32>
    %get3A_28 = arith.constant 0 : index
    %get3A_29 = arith.constant 0 : index
    %get3A_30 = vector.load %arg4[%get3A_28, %get3A_29] : memref<8x128xf32, #tpu.memory_space<vmem>>, vector<1x128xf32>
    %get3A_31 = vector.shape_cast %get3A_30 : vector<1x128xf32> to vector<128xf32>
    %broadcast_in_dim3A_32 = vector.shape_cast %get3A_31 : vector<128xf32> to vector<1x128xf32>
    %add3A_33 = vector.broadcast %broadcast_in_dim3A_32 : vector<1x128xf32> to vector<2048x128xf32>
    %add3A_34 = arith.addf %mul3A_27, %add3A_33 : vector<2048x128xf32>
    %max3A = arith.constant 0.000000e+00 : f32
    %max3A_35 = vector.broadcast %max3A : f32 to vector<2048x128xf32>
    %max3A_36 = arith.maximumf %add3A_34, %max3A_35 : vector<2048x128xf32>
    %get3A_37 = arith.constant 0 : index
    %get3A_38 = arith.constant 0 : index
    %get3A_39 = vector.load %arg5[%get3A_37, %get3A_38] : memref<128x128xf32, #tpu.memory_space<vmem>>, vector<128x128xf32>
    %dot_general3A = arith.constant dense<0.000000e+00> : vector<2048x128xf32>
    %dot_general3A_40 = tpu.matmul %max3A_36, %get3A_39, %dot_general3A {dimension_numbers = #tpu.dot_dimension_numbers<[1], [0], [0], [1], [0, 0, 1, 1], [], []>, precision = #tpu.contract_precision<fp32>, transpose_lhs_hint = false} : vector<2048x128xf32>, vector<128x128xf32>, vector<2048x128xf32> -> vector<2048x128xf32>
    %broadcast_in_dim3A_41 = vector.shape_cast %div3A_11 : vector<2048xf32> to vector<2048x1xf32>
    %mul3A_42 = vector.broadcast %broadcast_in_dim3A_41 : vector<2048x1xf32> to vector<2048x128xf32>
    %mul3A_43 = arith.mulf %dot_general3A_40, %mul3A_42 : vector<2048x128xf32>
    %swap3A = arith.constant 0 : index
    %swap3A_44 = arith.constant 0 : index
    %swap3A_45 = vector.load %arg6[%swap3A, %swap3A_44] : memref<2048x128xf32, #tpu.memory_space<vmem>>, vector<2048x128xf32>
    tpu.vector_store %arg6[%swap3A, %swap3A_44], %mul3A_43 {strides = array<i32>} : memref<2048x128xf32, #tpu.memory_space<vmem>>, vector<2048x128xf32>,
    return
  }
  func.func @transform_0(%arg0: i32) -> (i32, i32, i32) {
    %c0_i32 = arith.constant 0 : i32
    %c0_i32_0 = arith.constant 0 : i32
    %c0_i32_1 = arith.constant 0 : i32
    return %c0_i32, %arg0, %c0_i32_0 : i32, i32, i32
  }
  func.func @transform_1(%arg0: i32) -> (i32, i32) {
    %c0_i32 = arith.constant 0 : i32
    %c0_i32_0 = arith.constant 0 : i32
    return %arg0, %c0_i32 : i32, i32
  }
  func.func @transform_2(%arg0: i32) -> (i32, i32) {
    %c0_i32 = arith.constant 0 : i32
    %c0_i32_0 = arith.constant 0 : i32
    return %c0_i32, %arg0 : i32, i32
  }
  func.func @transform_3(%arg0: i32) -> (i32, i32) {
    %c0_i32 = arith.constant 0 : i32
    %c0_i32_0 = arith.constant 0 : i32
    %c0_i32_1 = arith.constant 0 : i32
    return %c0_i32, %c0_i32_0 : i32, i32
  }
  func.func @transform_4(%arg0: i32) -> (i32, i32) {
    %c0_i32 = arith.constant 0 : i32
    %c0_i32_0 = arith.constant 0 : i32
    %c0_i32_1 = arith.constant 0 : i32
    return %c0_i32, %c0_i32_0 : i32, i32
  }
  func.func @transform_5(%arg0: i32) -> (i32, i32) {
    %c0_i32 = arith.constant 0 : i32
    %c0_i32_0 = arith.constant 0 : i32
    return %arg0, %c0_i32 : i32, i32
  }
}

module attributes {stable_mosaic.version = 14 : i64} {
  func.func @_final_body(%arg0: i32, %arg1: memref<2x2048x128xf32, #tpu.memory_space<vmem>>, %arg2: memref<2048x128xf32, #tpu.memory_space<vmem>>, %arg3: memref<2x2048xf32, #tpu.memory_space<vmem>>, %arg4: memref<8x128xf32, #tpu.memory_space<vmem>>, %arg5: memref<1x1x2048xi32, #tpu.memory_space<vmem>>, %arg6: memref<8x128xf32, #tpu.memory_space<vmem>>, %arg7: memref<8x128xf32, #tpu.memory_space<vmem>>, %arg8: memref<64x1xf32, #tpu.memory_space<vmem>>, %arg9: memref<64x128xf32, #tpu.memory_space<vmem>>, %arg10: memref<64x1xf32, #tpu.memory_space<vmem>>) attributes {dimension_semantics = [#tpu.dimension_semantics<arbitrary>], iteration_bounds = array<i64: 5>, scalar_prefetch = 0 : i64, scratch_operands = 2 : i64, tpu.core_type = #tpu.core_type<tc>, window_params = [{transform_indices = @transform_0, window_bounds = array<i64: 2, 2048, 128>}, {transform_indices = @transform_1, window_bounds = array<i64: 2048, 128>}, {transform_indices = @transform_2, window_bounds = array<i64: 2, 2048>}, {pipeline_mode = #tpu.pipeline_mode<synchronous>, transform_indices = @transform_3, window_bounds = array<i64: 8, 128>}, {transform_indices = @transform_4, window_bounds = array<i64: 1, 1, 2048>}, {pipeline_mode = #tpu.pipeline_mode<synchronous>, transform_indices = @transform_5, window_bounds = array<i64: 8, 128>}, {pipeline_mode = #tpu.pipeline_mode<synchronous>, transform_indices = @transform_6, window_bounds = array<i64: 8, 128>}, {pipeline_mode = #tpu.pipeline_mode<synchronous>, transform_indices = @transform_7, window_bounds = array<i64: 64, 1>}]} {
    %eq3A = arith.constant 0 : i32
    %eq3A_0 = arith.cmpi eq, %arg0, %eq3A : i32
    %convert_element_type3A = arith.extui %eq3A_0 : i1 to i32
    %cond3A = arith.constant 0 : i32
    %cond3A_1 = arith.cmpi ne, %convert_element_type3A, %cond3A : i32
    scf.if %cond3A_1 {
      %broadcast_in_dim3A_70 = arith.constant 0.000000e+00 : f32
      %broadcast_in_dim3A_71 = vector.broadcast %broadcast_in_dim3A_70 : f32 to vector<64x128xf32>
      %swap3A_72 = arith.constant 0 : index
      %swap3A_73 = arith.constant 0 : index
      %swap3A_74 = vector.load %arg9[%swap3A_72, %swap3A_73] : memref<64x128xf32, #tpu.memory_space<vmem>>, vector<64x128xf32>
      tpu.vector_store %arg9[%swap3A_72, %swap3A_73], %broadcast_in_dim3A_71 {strides = array<i32>} : memref<64x128xf32, #tpu.memory_space<vmem>>, vector<64x128xf32>,
      %broadcast_in_dim3A_75 = arith.constant 0.000000e+00 : f32
      %broadcast_in_dim3A_76 = vector.broadcast %broadcast_in_dim3A_75 : f32 to vector<64x1xf32>
      %swap3A_77 = arith.constant 0 : index
      %swap3A_78 = arith.constant 0 : index
      %swap3A_79 = vector.load %arg10[%swap3A_77, %swap3A_78] : memref<64x1xf32, #tpu.memory_space<vmem>>, vector<64x1xf32>
      tpu.vector_store %arg10[%swap3A_77, %swap3A_78], %broadcast_in_dim3A_76 {strides = array<i32>} : memref<64x1xf32, #tpu.memory_space<vmem>>, vector<64x1xf32>,
    } else {
    }
    %get3A = arith.constant 0 : index
    %get3A_2 = arith.constant 0 : index
    %get3A_3 = vector.load %arg3[%get3A, %get3A_2] : memref<2x2048xf32, #tpu.memory_space<vmem>>, vector<1x2048xf32>
    %get3A_4 = vector.shape_cast %get3A_3 : vector<1x2048xf32> to vector<2048xf32>
    %get3A_5 = arith.constant 1 : index
    %get3A_6 = arith.constant 0 : index
    %get3A_7 = vector.load %arg3[%get3A_5, %get3A_6] : memref<2x2048xf32, #tpu.memory_space<vmem>>, vector<1x2048xf32>
    %get3A_8 = vector.shape_cast %get3A_7 : vector<1x2048xf32> to vector<2048xf32>
    %add3A = arith.addf %get3A_4, %get3A_8 : vector<2048xf32>
    %add3A_9 = arith.constant 1.000000e+00 : f32
    %add3A_10 = vector.broadcast %add3A_9 : f32 to vector<2048xf32>
    %add3A_11 = arith.addf %add3A, %add3A_10 : vector<2048xf32>
    %sqrt3A = math.sqrt %add3A_11 : vector<2048xf32>
    %div3A = arith.constant 1.000000e+00 : f32
    %div3A_12 = vector.broadcast %div3A : f32 to vector<2048xf32>
    %div3A_13 = arith.divf %div3A_12, %sqrt3A : vector<2048xf32>
    %get3A_14 = arith.constant 0 : index
    %get3A_15 = arith.constant 0 : index
    %get3A_16 = arith.constant 0 : index
    %get3A_17 = vector.load %arg1[%get3A_14, %get3A_15, %get3A_16] : memref<2x2048x128xf32, #tpu.memory_space<vmem>>, vector<1x2048x128xf32>
    %get3A_18 = vector.shape_cast %get3A_17 : vector<1x2048x128xf32> to vector<2048x128xf32>
    %get3A_19 = arith.constant 1 : index
    %get3A_20 = arith.constant 0 : index
    %get3A_21 = arith.constant 0 : index
    %get3A_22 = vector.load %arg1[%get3A_19, %get3A_20, %get3A_21] : memref<2x2048x128xf32, #tpu.memory_space<vmem>>, vector<1x2048x128xf32>
    %get3A_23 = vector.shape_cast %get3A_22 : vector<1x2048x128xf32> to vector<2048x128xf32>
    %add3A_24 = arith.addf %get3A_18, %get3A_23 : vector<2048x128xf32>
    %get3A_25 = arith.constant 0 : index
    %get3A_26 = arith.constant 0 : index
    %get3A_27 = vector.load %arg2[%get3A_25, %get3A_26] : memref<2048x128xf32, #tpu.memory_space<vmem>>, vector<2048x128xf32>
    %add3A_28 = arith.addf %add3A_24, %get3A_27 : vector<2048x128xf32>
    %broadcast_in_dim3A = vector.shape_cast %div3A_13 : vector<2048xf32> to vector<2048x1xf32>
    %mul3A = vector.broadcast %broadcast_in_dim3A : vector<2048x1xf32> to vector<2048x128xf32>
    %mul3A_29 = arith.mulf %mul3A, %add3A_28 : vector<2048x128xf32>
    %get3A_30 = arith.constant 0 : index
    %get3A_31 = arith.constant 0 : index
    %get3A_32 = vector.load %arg4[%get3A_30, %get3A_31] : memref<8x128xf32, #tpu.memory_space<vmem>>, vector<1x128xf32>
    %get3A_33 = vector.shape_cast %get3A_32 : vector<1x128xf32> to vector<128xf32>
    %broadcast_in_dim3A_34 = vector.shape_cast %get3A_33 : vector<128xf32> to vector<1x128xf32>
    %add3A_35 = vector.broadcast %broadcast_in_dim3A_34 : vector<1x128xf32> to vector<2048x128xf32>
    %add3A_36 = arith.addf %mul3A_29, %add3A_35 : vector<2048x128xf32>
    %max3A = arith.constant 0.000000e+00 : f32
    %max3A_37 = vector.broadcast %max3A : f32 to vector<2048x128xf32>
    %max3A_38 = arith.maximumf %add3A_36, %max3A_37 : vector<2048x128xf32>
    %get3A_39 = arith.constant 0 : index
    %get3A_40 = arith.constant 0 : index
    %get3A_41 = arith.constant 0 : index
    %get3A_42 = vector.load %arg5[%get3A_39, %get3A_40, %get3A_41] : memref<1x1x2048xi32, #tpu.memory_space<vmem>>, vector<1x1x2048xi32>
    %get3A_43 = vector.shape_cast %get3A_42 : vector<1x1x2048xi32> to vector<2048xi32>
    %broadcast_in_dim3A_44 = vector.shape_cast %get3A_43 : vector<2048xi32> to vector<1x2048xi32>
    %iota3A = tpu.iota {dimensions = array<i32: 0>} : vector<64x2048xi32>
    %eq3A_45 = vector.broadcast %broadcast_in_dim3A_44 : vector<1x2048xi32> to vector<64x2048xi32>
    %eq3A_46 = arith.cmpi eq, %eq3A_45, %iota3A : vector<64x2048xi32>
    %convert_element_type3A_47 = arith.extui %eq3A_46 : vector<64x2048xi1> to vector<64x2048xi32>
    %convert_element_type3A_48 = arith.sitofp %convert_element_type3A_47 : vector<64x2048xi32> to vector<64x2048xf32>
    %get3A_49 = arith.constant 0 : index
    %get3A_50 = arith.constant 0 : index
    %get3A_51 = vector.load %arg9[%get3A_49, %get3A_50] : memref<64x128xf32, #tpu.memory_space<vmem>>, vector<64x128xf32>
    %dot_general3A = arith.constant dense<0.000000e+00> : vector<64x128xf32>
    %dot_general3A_52 = tpu.matmul %convert_element_type3A_48, %max3A_38, %dot_general3A {dimension_numbers = #tpu.dot_dimension_numbers<[1], [0], [0], [1], [0, 0, 1, 1], [], []>, precision = #tpu.contract_precision<fp32>, transpose_lhs_hint = false} : vector<64x2048xf32>, vector<2048x128xf32>, vector<64x128xf32> -> vector<64x128xf32>
    %add3A_53 = arith.addf %get3A_51, %dot_general3A_52 : vector<64x128xf32>
    %swap3A = arith.constant 0 : index
    %swap3A_54 = arith.constant 0 : index
    %swap3A_55 = vector.load %arg9[%swap3A, %swap3A_54] : memref<64x128xf32, #tpu.memory_space<vmem>>, vector<64x128xf32>
    tpu.vector_store %arg9[%swap3A, %swap3A_54], %add3A_53 {strides = array<i32>} : memref<64x128xf32, #tpu.memory_space<vmem>>, vector<64x128xf32>,
    %get3A_56 = arith.constant 0 : index
    %get3A_57 = arith.constant 0 : index
    %get3A_58 = vector.load %arg10[%get3A_56, %get3A_57] : memref<64x1xf32, #tpu.memory_space<vmem>>, vector<64x1xf32>
    %reduce_sum3A = arith.constant dense<0.000000e+00> : vector<64xf32>
    %reduce_sum3A_59 = vector.multi_reduction <add>, %convert_element_type3A_48, %reduce_sum3A [1] : vector<64x2048xf32> to vector<64xf32>
    %broadcast_in_dim3A_60 = vector.shape_cast %reduce_sum3A_59 : vector<64xf32> to vector<64x1xf32>
    %add3A_61 = arith.addf %get3A_58, %broadcast_in_dim3A_60 : vector<64x1xf32>
    %swap3A_62 = arith.constant 0 : index
    %swap3A_63 = arith.constant 0 : index
    %swap3A_64 = vector.load %arg10[%swap3A_62, %swap3A_63] : memref<64x1xf32, #tpu.memory_space<vmem>>, vector<64x1xf32>
    tpu.vector_store %arg10[%swap3A_62, %swap3A_63], %add3A_61 {strides = array<i32>} : memref<64x1xf32, #tpu.memory_space<vmem>>, vector<64x1xf32>,
    %eq3A_65 = arith.constant 4 : i32
    %eq3A_66 = arith.cmpi eq, %arg0, %eq3A_65 : i32
    %convert_element_type3A_67 = arith.extui %eq3A_66 : i1 to i32
    %cond3A_68 = arith.constant 0 : i32
    %cond3A_69 = arith.cmpi ne, %convert_element_type3A_67, %cond3A_68 : i32
    scf.if %cond3A_69 {
      %get3A_70 = arith.constant 0 : index
      %get3A_71 = arith.constant 0 : index
      %get3A_72 = vector.load %arg9[%get3A_70, %get3A_71] : memref<64x128xf32, #tpu.memory_space<vmem>>, vector<64x128xf32>
      %get3A_73 = arith.constant 0 : index
      %get3A_74 = arith.constant 0 : index
      %get3A_75 = vector.load %arg10[%get3A_73, %get3A_74] : memref<64x1xf32, #tpu.memory_space<vmem>>, vector<64x1xf32>
      %max3A_76 = arith.constant 1.000000e+00 : f32
      %max3A_77 = vector.broadcast %max3A_76 : f32 to vector<64x1xf32>
      %max3A_78 = arith.maximumf %get3A_75, %max3A_77 : vector<64x1xf32>
      %div3A_79 = vector.broadcast %max3A_78 : vector<64x1xf32> to vector<64x128xf32>
      %div3A_80 = arith.divf %get3A_72, %div3A_79 : vector<64x128xf32>
      %get3A_81 = arith.constant 0 : index
      %get3A_82 = arith.constant 0 : index
      %get3A_83 = vector.load %arg6[%get3A_81, %get3A_82] : memref<8x128xf32, #tpu.memory_space<vmem>>, vector<1x128xf32>
      %get3A_84 = vector.shape_cast %get3A_83 : vector<1x128xf32> to vector<128xf32>
      %broadcast_in_dim3A_85 = vector.shape_cast %get3A_84 : vector<128xf32> to vector<1x128xf32>
      %mul3A_86 = vector.broadcast %broadcast_in_dim3A_85 : vector<1x128xf32> to vector<64x128xf32>
      %mul3A_87 = arith.mulf %div3A_80, %mul3A_86 : vector<64x128xf32>
      %reduce_sum3A_88 = arith.constant dense<0.000000e+00> : vector<64xf32>
      %reduce_sum3A_89 = vector.multi_reduction <add>, %mul3A_87, %reduce_sum3A_88 [1] : vector<64x128xf32> to vector<64xf32>
      %broadcast_in_dim3A_90 = vector.shape_cast %reduce_sum3A_89 : vector<64xf32> to vector<64x1xf32>
      %get3A_91 = arith.constant 0 : index
      %get3A_92 = arith.constant 0 : index
      %get3A_93 = vector.load %arg7[%get3A_91, %get3A_92] : memref<8x128xf32, #tpu.memory_space<vmem>>, vector<1x1xf32>
      %get3A_94 = vector.extract %get3A_93[0, 0] : f32 from vector<1x1xf32>
      %add3A_95 = vector.broadcast %get3A_94 : f32 to vector<64x1xf32>
      %add3A_96 = arith.addf %broadcast_in_dim3A_90, %add3A_95 : vector<64x1xf32>
      %swap3A_97 = arith.constant 0 : index
      %swap3A_98 = arith.constant 0 : index
      %swap3A_99 = vector.load %arg8[%swap3A_97, %swap3A_98] : memref<64x1xf32, #tpu.memory_space<vmem>>, vector<64x1xf32>
      tpu.vector_store %arg8[%swap3A_97, %swap3A_98], %add3A_96 {strides = array<i32>} : memref<64x1xf32, #tpu.memory_space<vmem>>, vector<64x1xf32>,
    } else {
    }
    return
  }
  func.func @transform_0(%arg0: i32) -> (i32, i32, i32) {
    %c0_i32 = arith.constant 0 : i32
    %c0_i32_0 = arith.constant 0 : i32
    %c0_i32_1 = arith.constant 0 : i32
    return %c0_i32, %arg0, %c0_i32_0 : i32, i32, i32
  }
  func.func @transform_1(%arg0: i32) -> (i32, i32) {
    %c0_i32 = arith.constant 0 : i32
    %c0_i32_0 = arith.constant 0 : i32
    return %arg0, %c0_i32 : i32, i32
  }
  func.func @transform_2(%arg0: i32) -> (i32, i32) {
    %c0_i32 = arith.constant 0 : i32
    %c0_i32_0 = arith.constant 0 : i32
    return %c0_i32, %arg0 : i32, i32
  }
  func.func @transform_3(%arg0: i32) -> (i32, i32) {
    %c0_i32 = arith.constant 0 : i32
    %c0_i32_0 = arith.constant 0 : i32
    %c0_i32_1 = arith.constant 0 : i32
    return %c0_i32, %c0_i32_0 : i32, i32
  }
  func.func @transform_4(%arg0: i32) -> (i32, i32, i32) {
    %c0_i32 = arith.constant 0 : i32
    %c0_i32_0 = arith.constant 0 : i32
    %c0_i32_1 = arith.constant 0 : i32
    return %arg0, %c0_i32, %c0_i32_0 : i32, i32, i32
  }
  func.func @transform_5(%arg0: i32) -> (i32, i32) {
    %c0_i32 = arith.constant 0 : i32
    %c0_i32_0 = arith.constant 0 : i32
    %c0_i32_1 = arith.constant 0 : i32
    return %c0_i32, %c0_i32_0 : i32, i32
  }
  func.func @transform_6(%arg0: i32) -> (i32, i32) {
    %c0_i32 = arith.constant 0 : i32
    %c0_i32_0 = arith.constant 0 : i32
    %c0_i32_1 = arith.constant 0 : i32
    return %c0_i32, %c0_i32_0 : i32, i32
  }
  func.func @transform_7(%arg0: i32) -> (i32, i32) {
    %c0_i32 = arith.constant 0 : i32
    %c0_i32_0 = arith.constant 0 : i32
    %c0_i32_1 = arith.constant 0 : i32
    return %c0_i32, %c0_i32_0 : i32, i32
  }
}

</mosaic_0001>

<sc_bundles>
// kernel: kernel.11.cloned.1.call-start
scs
__scs_entry_jumppad:
0x0: {  	(pc) =	sbr.rel $0x88, $3  }
0x1: {  	(tag) =	ssettag $0x0;
	lr =	simm.s32 $0x1  }
0x2: {  	[smem:$0x3F98] =	sst lr;
	_ =	strace $0xD0000000  }
0x3: {  	_ = 	snop  }
0x4: {  	_ = 	snop  }
0x5: {  	_ = 	snop  }
0x6: {  	_ = 	snop  }
0x7: {  	_ = 	snop  }
__scs_overlays_trampoline_lowered:
0x8: {  	[smem:$0x3FA7] =	sst s0  }
0x9: {  	[smem:$0x3FA8] =	sst s1  }
0xa: {  	[smem:$0x3FA9] =	sst s2  }
0xb: {  	[smem:$0x3FAA] =	sst s3  }
0xc: {  	[smem:$0x3FAB] =	sst s4  }
0xd: {  	[smem:$0x3FAC] =	sst s5  }
0xe: {  	[smem:$0x3FAD] =	sst s6  }
0xf: {  	[smem:$0x3FAE] =	sst s7  }
0x10: {  	[smem:$0x3FAF] =	sst s8  }
0x11: {  	[smem:$0x3FB0] =	sst s9;
	s0 =	simm.s32 @!p0 $0x0  }
0x12: {  	s1 =	sld [smem:$0x3F96];
	s0 =	simm.s32 @p0 $0x1  }
0x13: {  	[smem:$0x3FB1] =	sst s0;
	s0 =	simm.s32 @!p1 $0x0  }
0x14: {  	s2 =	sld [smem:$0x3F95];
	s0 =	simm.s32 @p1 $0x1  }
0x15: {  	[smem:$0x3FB2] =	sst s0;
	s0 =	simm.s32 @!p2 $0x0  }
0x16: {  	s3 =	sld [smem:$0x3FDB];
	s0 =	simm.s32 @p2 $0x1  }
0x17: {  	s4 =	simm.s32 $0x1BF5;
	[smem:$0x3FB4] =	sst s0  }
0x18: {  	s0 =	sld [smem:$0x3F97];
	_ =	swait.ge [sflag:s4], $0x0  }
0x19: {  	s7 =	sld [smem:$0x3F98]  }
0x1a: {  	s8 =	sadd.s32 $0xFFFFE003, lr  }
0x1b: {  	s9 =	sadd.s32 $0xFFFFFEF7, lr;
	s5 =	simm.s32 $0xFFFFFFFF;
	p2 =	slt.u32 s8, $0xFFFFF086  }
0x1c: {  	p1 =	slt.u32 s9, $0xF7A;
	s5 =	simm.s32 @!p2 $0x0  }
0x1d: {  	s5 =	simm.s32 @p1 $0x1;
	p0 =	seq.s32 s7, s2  }
0x1e: {  	s7 =	smul.u32 @!p0 $0xF7A, s2;
	p2 =	seq.s32 @!p0 s5, $0x0  }
0x1f: {  	s9 =	smul.u32 $0xF7A, s1;
	s8 =	simm.s32 @!p0 $0x1BF5;
	p2 =	por !p2, p0  }
0x20: {  	[sflag:s8] =	ssyncset.s32 @!p0 $0xFFFFF086;
	s6 =	sadd.s32 @!p0 s3, s7;
	s7 =	simm.s32 @!p0 $0x108  }
0x21: {  	s3 =	sadd.s32 s3, s9;
	s6 =	sadd.s32 @!p0 $0x88, s6;
	s7 =	simm.s32 @p2 $0x1082  }
0x22: {  	[simem:s7], [sflag:s8] =	dma.local @!p0 [hbm:s6], $0xF7A  }
0x23: {  	s9 =	sor.u32 $0xD0000000, s2;
	s6 =	simm.s32 $0x108;
	_ =	swait.ge @!p0 [sflag:s8], $0x0  }
0x24: {  	s3 =	sadd.s32 $0x88, s3;
	s6 =	simm.s32 @!p1 $0x1082;
	[sflag:s4] =	ssyncset.s32 $0xFFFFF086  }
0x25: {  	[simem:s6], [sflag:s4] =	dma.local [hbm:s3], $0xF7A  }
0x26: {  	[smem:$0x3F98] =	sst s1;
	(tag) =	ssettag s2;
	_ =	strace s9  }
0x27: {  	s1 =	sld [smem:$0x3FA8]  }
0x28: {  	s2 =	sld [smem:$0x3FA9]  }
0x29: {  	s4 =	sld [smem:$0x3FAB]  }
0x2a: {  	p0 =	seq.s32 s5, $0x0;
	s5 =	sld [smem:$0x3FAC]  }
0x2b: {  	s6 =	sld [smem:$0x3FAD]  }
0x2c: {  	s7 =	sld [smem:$0x3FAE]  }
0x2d: {  	s3 =	simm.s32 $0x108;
	s8 =	sld [smem:$0x3FAF]  }
0x2e: {  	s3 =	simm.s32 @!p0 $0x1082;
	s9 =	sld [smem:$0x3FB0]  }
0x2f: {  	lr =	sadd.s32 s0, s3;
	s0 =	sld [smem:$0x3FA7]  }
0x30: {  	s3 =	sld [smem:$0x3FAA]  }
0x31: {  	[smem:$0x3FB3] =	sst s10  }
0x32: {  	s10 =	sld [smem:$0x3FB1];
	_ =	sdelay $0x3  }
0x33: {  	p0 =	seq.s32 s10, $0x1;
	s10 =	sld [smem:$0x3FB3];
	_ =	sdelay $0x3  }
0x34: {  	[smem:$0x3FB3] =	sst s10  }
0x35: {  	s10 =	sld [smem:$0x3FB2];
	_ =	sdelay $0x3  }
0x36: {  	p1 =	seq.s32 s10, $0x1;
	s10 =	sld [smem:$0x3FB3];
	_ =	sdelay $0x3  }
0x37: {  	[smem:$0x3FB3] =	sst s10  }
0x38: {  	s10 =	sld [smem:$0x3FB4]  }
0x39: {  	_ = 	snop;
	(pc) =	sbr.ind lr, $3  }
0x3a: {  	_ = 	snop  }
0x3b: {  	_ = 	snop  }
0x3c: {  	p2 =	seq.s32 s10, $0x1;
	s10 =	sld [smem:$0x3FB3]  }
0x3d: {  	_ =	shalt  }
0x3e: {  	_ =	shalt  }
0x3f: {  	_ =	shalt  }
0x40: {  	_ =	shalt  }
0x41: {  	_ =	shalt  }
0x42: {  	_ =	shalt  }
0x43: {  	_ =	shalt  }
0x44: {  	_ =	shalt  }
0x45: {  	_ =	shalt  }
0x46: {  	_ =	shalt  }
0x47: {  	_ =	shalt  }
0x48: {  	_ =	shalt  }
0x49: {  	_ =	shalt  }
0x4a: {  	_ =	shalt  }
0x4b: {  	_ =	shalt  }
0x4c: {  	_ =	shalt  }
0x4d: {  	_ =	shalt  }
0x4e: {  	_ =	shalt  }
0x4f: {  	_ =	shalt  }
0x50: {  	_ =	shalt  }
0x51: {  	_ =	shalt  }
0x52: {  	_ =	shalt  }
0x53: {  	_ =	shalt  }
0x54: {  	_ =	shalt  }
0x55: {  	_ =	shalt  }
0x56: {  	_ =	shalt  }
0x57: {  	_ =	shalt  }
0x58: {  	_ =	shalt  }
0x59: {  	_ =	shalt  }
0x5a: {  	_ =	shalt  }
0x5b: {  	_ =	shalt  }
0x5c: {  	_ =	shalt  }
0x5d: {  	_ =	shalt  }
0x5e: {  	_ =	shalt  }
0x5f: {  	_ =	shalt  }
0x60: {  	_ =	shalt  }
0x61: {  	_ =	shalt  }
0x62: {  	_ =	shalt  }
0x63: {  	_ =	shalt  }
0x64: {  	_ =	shalt  }
0x65: {  	_ =	shalt  }
0x66: {  	_ =	shalt  }
0x67: {  	_ =	shalt  }
0x68: {  	_ =	shalt  }
0x69: {  	_ =	shalt  }
0x6a: {  	_ =	shalt  }
0x6b: {  	_ =	shalt  }
0x6c: {  	_ =	shalt  }
0x6d: {  	_ =	shalt  }
0x6e: {  	_ =	shalt  }
0x6f: {  	_ =	shalt  }
0x70: {  	_ =	shalt  }
0x71: {  	_ =	shalt  }
0x72: {  	_ =	shalt  }
0x73: {  	_ =	shalt  }
0x74: {  	_ =	shalt  }
0x75: {  	_ =	shalt  }
0x76: {  	_ =	shalt  }
0x77: {  	_ =	shalt  }
0x78: {  	_ =	shalt  }
0x79: {  	_ =	shalt  }
0x7a: {  	_ =	shalt  }
0x7b: {  	_ =	shalt  }
0x7c: {  	_ =	shalt  }
0x7d: {  	_ =	shalt  }
0x7e: {  	_ =	shalt  }
0x7f: {  	_ =	shalt  }
0x80: {  	_ =	shalt  }
0x81: {  	_ =	shalt  }
0x82: {  	_ =	shalt  }
0x83: {  	_ =	shalt  }
0x84: {  	_ =	shalt  }
0x85: {  	_ =	shalt  }
0x86: {  	_ =	shalt  }
0x87: {  	_ =	shalt  }
.Lfunc_end0:
.L_simem_size_0:
called_computation.1_lowered:
.L_overlay_start_0:
0x88: {  	s2 =	sld [smem:$0x3FD9]  }
0x89: {  	s3 =	sld [smem:$0x3FFE];
	_ =	sdelay $0x1  }
0x8a: {  	s1 =	srdreg.scid  }
0x8b: {  	s0 =	sand.u32 $0x1, s1  }
0x8c: {  	s16 =	sshll.u32 s0, $0xA;
	s2 =	sadd.s32 s3, s2  }
0x8d: {  	s2 =	sadd.s32 s2, s16  }
0x8e: {  	[smem:$0x3FBF] =	sst s2  }
0x8f: {  	_ = 	snop  }
0x90: {  	(tm) =	ssettm $0x1  }
0x91: {  	s17 =	sld [smem:$0x3FFB];
	_ =	sdelay $0x3  }
0x92: {  	_ =	strace s17  }
0x93: {  	s2 =	sld [smem:$0x3FFC];
	_ =	sdelay $0x3  }
0x94: {  	_ =	strace s2  }
0x95: {  	s2 =	sld [smem:$0x3FFD];
	_ =	sdelay $0x3  }
0x96: {  	_ =	strace s2  }
0x97: {  	_ =	strace $0x8FFFFFFF  }
0x98: {  	s18 =	sld [smem:$0x3FDB];
	_ =	sdelay $0x1  }
0x99: {  	s19 =	simm.s32 $_scs_section_size  }
0x9a: {  	s4 =	simm.s32 $_size__tile_overlayer_lowered;
	s5 =	simm.s32 $_tile_overlayer_lowered  }
0x9b: {  	s22 =	simm.s32 $0x1BFF;
	s21 =	sshll.u32 s5, $0x1;
	s2 =	sadd.s32 s19, s18  }
0x9c: {  	s6 =	simm.s32 $0x0;
	s20 =	sshll.u32 s4, $0x1;
	s4 =	sadd.s32 s21, s2  }
0x9d: {  	[timem:s6], [sflag:s22] =	dma.local [hbm:s4], s20  }
0x9e: {  	_ =	swait.ge [sflag:s22], s20  }
0x9f: {  	s3 =	ssub.s32 $0x0, s20;
	[sflag:s22] =	ssyncset.done $0x0  }
0xa0: {  	[sflag:s22] =	ssyncadd.s32 s3;
	_ =	sdelay $0x1  }
0xa1: {  	s23 =	simm.s32 $0x1B8B  }
0xa2: {  	_ =	swait.ge [sflag:s23], $0x1  }
0xa3: {  	[sflag:s23] =	ssyncset.done $0x0  }
0xa4: {  	s25 =	simm.s32 $0x1B8E;
	s24 =	sld [smem:$0x3FFE];
	[sflag:s23] =	ssyncadd.s32 $0xFFFFFFFF  }
0xa5: {  	s26 =	simm.s32 $execute0_lowered;
	[smem:$0x3FD2] =	sst s25  }
0xa6: {  	s4 =	sshll.u32 s26, $0x1;
	_ =	strace $0x80000049;
	[dreg:$0x1] =	wrdreg $0xFFFFFFFF  }
0xa7: {  	s28 =	simm.s32 $_size_execute0_lowered;
	s2 =	sadd.s32 s2, s4;
	[dreg:$0x0] =	wrdreg $0x0  }
0xa8: {  	s4 =	sshll.u32 s28, $0x1;
	[dreg:$0x2] =	wrdreg s2  }
0xa9: {  	[dreg:$0x3] =	wrdreg s4  }
0xaa: {  	[dreg:$0x4] =	wrdreg $0xC0  }
0xab: {  	_ =	task [dreg:s6], $0x5FFFF  }
0xac: {  	[dreg:$0x1] =	wrdreg $0xFFFFFFFF  }
0xad: {  	[dreg:$0x0] =	wrdreg $0x60  }
0xae: {  	[dreg:$0x2] =	wrdreg s24  }
0xaf: {  	[dreg:$0x3] =	wrdreg $0xA8000  }
0xb0: {  	[dreg:$0x4] =	wrdreg $0x9  }
0xb1: {  	_ =	task.clear_ibuf [dreg:s6], $0x5FFFF;
	_ =	strace $0x90000049  }
0xb2: {  	s29 =	simm.s32 $0x9;
	_ =	strace $0x8000004B  }
0xb3: {  	_ =	swait.ge [sflag:s29], $0x1  }
0xb4: {  	[sflag:s29] =	ssyncadd.s32 $0xFFFFFFFF  }
0xb5: {  	_ =	strace $0x9000004B  }
0xb6: {  	_ =	sfence  }
0xb7: {  	s30 =	sld [smem:$0x0];
	_ =	sdelay $0x2  }
0xb8: {  	s31 =	sshll.u32 s1, $0xD;
	s1 =	sshrl.u32 s1, $0x2  }
0xb9: {  	s3 =	sand.u32 $0x4000, s31;
	s1 =	sadd.s32 s1, s30  }
0xba: {  	s0 =	sor.u32 s3, s0;
	s1 =	sshll.u32 s1, $0x11  }
0xbb: {  	s0 =	sor.u32 s1, s0  }
0xbc: {  	s0 =	sadd.s32 $0x8F2B, s0  }
0xbd: {  	[sflag:s0] =	ssyncadd.remote.s32 $0x1  }
0xbe: {  	_ =	sfence.sel $0xFFFF  }
0xbf: {  	[dreg:$0x0] =	wrdreg $0xFFFFFFFF;
	(pc) =	sbr.abs _section_cstart, $3  }
0xc0: {  	[dreg:$0x1] =	wrdreg $0xFFFFFFFF  }
0xc1: {  	_ =	task.clear_ibuf [dreg:s6], $0x2FFFF;
	_ =	strace $0x9FFFFFFF  }
0xc2: {  	(tm) =	ssettm $0x7FFFFFFF  }
0xc3: {  	_ =	shalt  }
tec
execute0_lowered:
.L_overlay_start_1:
0x0: {  	(tag) =	ssettag $0x1  }
0x1: {  	s6 =	rddreg [dreg:$0x0]  }
0x2: {  	s2 =	rddreg [dreg:$0x1]  }
0x3: {  	s1 =	srdreg.scid;
	s0 =	rddreg [dreg:$0x2]  }
0x4: {  	s3 =	simm.s32 $0x0;
	s14 =	simm.s32 $0x80;
	s15 =	simm.s32 $0x2800  }
0x5: {  	s16 =	simm.s32 $0x6800;
	s17 =	simm.s32 $0x1;
	s18 =	simm.s32 $0x2  }
0x6: {  	s19 =	simm.s32 $0x2700;
	s20 =	simm.s32 $0x2780;
	s7 =	sand.u32 $0x1, s1  }
0x7: {  	s21 =	simm.s32 $0x0;
	s1 =	stileid.u32;
	s5 =	smul.u32 $0x140000, s7  }
0x8: {  	[smem:$0x7FF] =	sst s3;
	s4 =	sshll.u32 s7, $0x4;
	s8 =	smul.u32 $0x14000, s1  }
0x9: {  	_ =	strace $0x8000004A;
	s10 =	smul.u32 $0x50000, s1;
	s31 =	ssub.s32 $0x2, s7  }
0xa: {  	s11 =	sshll.u32 s1, $0x6;
	s4 =	sor.u32 s1, s4;
	s7 =	sshrl.u32 s31, $0x1  }
0xb: {  	s9 =	smul.u32 $0x280, s4;
	s4 =	sadd.s32 $0xC400, s6;
	s5 =	sadd.s32 s8, s5  }
0xc: {  	s10 =	sshrl.u32 s10, $0x2;
	s12 =	ssub.s32 s31, s7;
	s30 =	sshrl.u32 s5, $0x3  }
0xd: {  	s5 =	sadd.s32 $0x34400, s6;
	s13 =	sadd.s32 s10, s2;
	s10 =	smax.u32 s12, $0x1  }
0xe: {  	s12 =	simm.s32 $0x3;
	s29 =	sadd.s32 s9, s6;
	s9 =	sadd.s32 s30, s6  }
0xf: {  	s6 =	sor.u32 $0x1C03, s11;
	s11 =	sshrl.u32 s13, $0x3;
	s13 =	simm.s32 $0x1400  }
0x10: {  	s7 =	sadd.s32 $0x7400, s29;
	s8 =	sadd.s32 $0x1800, s29;
	s9 =	sadd.s32 $0x36C00, s9  }
.LBB2_1:
0x11: {  	[spmem:s11], [sflag:s6] =	dma.local [hbm:s5], $0x2800  }
0x12: {  	_ =	swait.ge [sflag:s12], $0x2800  }
0x13: {  	[sflag:s12] =	ssyncset.done $0x0  }
0x14: {  	[sflag:s12] =	ssyncadd.s32 $0xFFFFD800  }
0x15: {  	[tilespmem:s3], [sflag:$0x3] =	stream.linear.gather [hbm4b:s7+s3], $0x1400, $0x38;
	[tilespmem:$0x1E800] =	vst v63  }
0x16: {  	_ =	swait.ge [sflag:s12], $0x1400  }
0x17: {  	[sflag:s12] =	ssyncset.done $0x0  }
0x18: {  	[sflag:s12] =	ssyncadd.s32 $0xFFFFEC00  }
0x19: {  	[tilespmem:s13], [sflag:$0x3] =	stream.linear.gather [hbm4b:s8+s3], $0x1400, $0x38;
	[tilespmem:$0x1E800] =	vst v63  }
0x1a: {  	_ =	swait.ge [sflag:s12], $0x1400  }
0x1b: {  	[sflag:s12] =	ssyncset.done $0x0  }
0x1c: {  	[sflag:s12] =	ssyncadd.s32 $0xFFFFEC00  }
0x1d: {  	[bflag:$0x0] =	sbarrier.arrive $0xFFFF  }
0x1e: {  	[tilespmem:s15], [sflag:$0x1] =	stream.indirect.gather [hbm4b:s4+s14], $0x80, s3, s14, $0xb8;
	[tilespmem:$0x1E800] =	vst v63  }
0x1f: {  	_ = 	snop  }
0x20: {  	[tilespmem:s16], [sflag:$0x2] =	stream.indirect.gather [hbm4b:s4+s14], $0x80, s14, s14, $0xb8;
	[tilespmem:$0x1E800] =	vst v63  }
0x21: {  	_ =	swait.ge [sflag:s17], $0x4000  }
0x22: {  	[sflag:s17] =	ssyncset.done $0x0  }
0x23: {  	s22 =	simm.s32 $0x1400;
	[sflag:s17] =	ssyncadd.s32 $0xFFFFC000  }
0x24: {  	[spmem:s2] =	stream.indirect.scatter.add.f32 [tilespmem:s15], [sflag:$0x3], $0x80, s22, s14, $0xb8;
	[tilespmem:$0x1E800] =	vst v63  }
0x25: {  	_ =	swait.ge [sflag:s12], $0x4000  }
0x26: {  	[sflag:s12] =	ssyncset.done $0x0  }
0x27: {  	s30 =	simm.s32 $0x100;
	[sflag:s12] =	ssyncadd.s32 $0xFFFFC000  }
0x28: {  	[tilespmem:s15], [sflag:$0x1] =	stream.indirect.gather [hbm4b:s4+s14], $0x80, s30, s14, $0xb8;
	[tilespmem:$0x1E800] =	vst v63  }
0x29: {  	_ =	swait.ge [sflag:s18], $0x4000  }
0x2a: {  	[sflag:s18] =	ssyncset.done $0x0  }
0x2b: {  	s31 =	simm.s32 $0x1480;
	[sflag:s18] =	ssyncadd.s32 $0xFFFFC000  }
0x2c: {  	[spmem:s2] =	stream.indirect.scatter.add.f32 [tilespmem:s16], [sflag:$0x3], $0x80, s31, s14, $0xb8;
	[tilespmem:$0x1E800] =	vst v63  }
0x2d: {  	_ =	swait.ge [sflag:s12], $0x4000  }
0x2e: {  	[sflag:s12] =	ssyncset.done $0x0  }
0x2f: {  	s23 =	simm.s32 $0x180;
	s22 =	simm.s32 $0x400;
	[sflag:s12] =	ssyncadd.s32 $0xFFFFC000  }
.LBB2_2:
0x30: {  	[tilespmem:s16], [sflag:$0x2] =	stream.indirect.gather [hbm4b:s4+s14], $0x80, s23, s14, $0xb8;
	[tilespmem:$0x1E800] =	vst v63  }
0x31: {  	s23 =	smov.u32 s22  }
0x32: {  	p0 =	sne.s32 s22, $0x4800;
	s22 =	sadd.s32 $0x400, s22;
	_ =	swait.ge [sflag:s17], $0x4000  }
0x33: {  	s23 =	sshra.s32 s23, $0x2;
	[sflag:s17] =	ssyncset.done $0x0  }
0x34: {  	s24 =	sadd.s32 $0x1400, s23;
	[sflag:s17] =	ssyncadd.s32 $0xFFFFC000  }
0x35: {  	[spmem:s2] =	stream.indirect.scatter.add.f32 [tilespmem:s15], [sflag:$0x3], $0x80, s24, s14, $0xb8;
	[tilespmem:$0x1E800] =	vst v63  }
0x36: {  	_ =	swait.ge [sflag:s12], $0x4000  }
0x37: {  	[sflag:s12] =	ssyncset.done $0x0  }
0x38: {  	s24 =	sadd.s32 $0x100, s23;
	[sflag:s12] =	ssyncadd.s32 $0xFFFFC000  }
0x39: {  	[tilespmem:s15], [sflag:$0x1] =	stream.indirect.gather [hbm4b:s4+s14], $0x80, s24, s14, $0xb8;
	[tilespmem:$0x1E800] =	vst v63  }
0x3a: {  	_ =	swait.ge [sflag:s18], $0x4000  }
0x3b: {  	[sflag:s18] =	ssyncset.done $0x0  }
.Ltmp0:
0x3c: {  	s24 =	sadd.s32 $0x1480, s23;
	[sflag:s18] =	ssyncadd.s32 $0xFFFFC000;
	(pc) =	sbr.rel @p0 .LBB2_2-.Ltmp0, $4  }
0x3d: {  	[spmem:s2] =	stream.indirect.scatter.add.f32 [tilespmem:s16], [sflag:$0x3], $0x80, s24, s14, $0xb8;
	[tilespmem:$0x1E800] =	vst v63  }
0x3e: {  	_ =	swait.ge [sflag:s12], $0x4000  }
0x3f: {  	[sflag:s12] =	ssyncset.done $0x0  }
0x40: {  	s23 =	sadd.s32 $0x180, s23;
	[sflag:s12] =	ssyncadd.s32 $0xFFFFC000  }
0x41: {  	[tilespmem:s16], [sflag:$0x2] =	stream.indirect.gather [hbm4b:s4+s14], $0x80, s23, s14, $0xb8;
	[tilespmem:$0x1E800] =	vst v63  }
0x42: {  	_ =	swait.ge [sflag:s17], $0x4000  }
0x43: {  	[sflag:s17] =	ssyncset.done $0x0  }
0x44: {  	[sflag:s17] =	ssyncadd.s32 $0xFFFFC000  }
0x45: {  	[spmem:s2] =	stream.indirect.scatter.add.f32 [tilespmem:s15], [sflag:$0x3], $0x80, s19, s14, $0xb8;
	[tilespmem:$0x1E800] =	vst v63  }
0x46: {  	_ =	swait.ge [sflag:s12], $0x4000  }
0x47: {  	[sflag:s12] =	ssyncset.done $0x0  }
0x48: {  	[sflag:s12] =	ssyncadd.s32 $0xFFFFC000  }
0x49: {  	_ =	swait.ge [sflag:s18], $0x4000  }
0x4a: {  	[sflag:s18] =	ssyncset.done $0x0  }
0x4b: {  	[sflag:s18] =	ssyncadd.s32 $0xFFFFC000  }
0x4c: {  	[spmem:s2] =	stream.indirect.scatter.add.f32 [tilespmem:s16], [sflag:$0x3], $0x80, s20, s14, $0xb8;
	[tilespmem:$0x1E800] =	vst v63  }
0x4d: {  	_ =	swait.ge [sflag:s12], $0x4000  }
0x4e: {  	s21 =	sadd.s32 $0x1, s21;
	[sflag:s12] =	ssyncset.done $0x0  }
0x4f: {  	p0 =	sne.s32 s21, s10;
	[sflag:s12] =	ssyncadd.s32 $0xFFFFC000  }
.Ltmp1:
0x50: {  	[bflag:$0x0] =	sbarrier.arrive $0xFFFF;
	(pc) =	sbr.rel @p0 .LBB2_1-.Ltmp1, $4  }
0x51: {  	[hbm:s9], [sflag:s6] =	dma.local [spmem:s11], $0x2800  }
0x52: {  	_ =	swait.ge [sflag:s12], $0x2800  }
0x53: {  	[sflag:s12] =	ssyncset.done $0x0  }
0x54: {  	[sflag:s12] =	ssyncadd.s32 $0xFFFFD800  }
0x55: {  	_ =	sfence.sel $0x180000  }
0x56: {  	[bflag:$0x0] =	sbarrier.arrive $0xFFFF  }
0x57: {  	p0 =	sne.s32 s1, $0x0;
	_ =	strace $0x9000004A  }
0x58: {  	s0 =	sadd.s32 @!p0 $0x100000, s0;
	[bflag:$0x2] =	sbarrier.arrive $0xFFFF  }
0x59: {  	[sflag:s0] =	ssyncadd.tile.s32 @!p0 $0x1;
	_ =	shalt  }
.Lfunc_end2:
_tile_overlayer_lowered:
.L_overlay_start_2:
0x5a: {  	(tag) =	ssettag $0x2  }
0x5b: {  	s0 =	rddreg [dreg:$0x0];
	s2 =	stileid.u32  }
0x5c: {  	s1 =	rddreg [dreg:$0x1];
	p0 =	sne.s32 s2, $0x0  }
0x5d: {  	s3 =	rddreg [dreg:$0x2];
	[bflag:$0x3] =	sbarrier.arrive $0xFFFF;
	s2 =	simm.s32 @!p0 $0x1C03  }
0x5e: {  	[timem:s3], [sflag:s2] =	dma.local @!p0 [hbm:s0], s1  }
0x5f: {  	s0 =	simm.s32 @!p0 $0x3  }
0x60: {  	_ =	swait.ge @!p0 [sflag:s0], s1  }
0x61: {  	s1 =	ssub.s32 @!p0 $0x0, s1;
	[sflag:s0] =	ssyncset.done @!p0 $0x0  }
0x62: {  	[sflag:s0] =	ssyncadd.s32 @!p0 s1  }
0x63: {  	[bflag:$0x3] =	sbarrier.arrive $0xFFFF  }
0x64: {  	_ =	shalt  }

// kernel: kernel.14.cloned.1.call-start
scs
__scs_entry_jumppad:
0x0: {  	(pc) =	sbr.rel $0x88, $3  }
0x1: {  	(tag) =	ssettag $0x0;
	lr =	simm.s32 $0x1  }
0x2: {  	[smem:$0x3F98] =	sst lr;
	_ =	strace $0xD0000000  }
0x3: {  	_ = 	snop  }
0x4: {  	_ = 	snop  }
0x5: {  	_ = 	snop  }
0x6: {  	_ = 	snop  }
0x7: {  	_ = 	snop  }
__scs_overlays_trampoline_lowered:
0x8: {  	[smem:$0x3FA7] =	sst s0  }
0x9: {  	[smem:$0x3FA8] =	sst s1  }
0xa: {  	[smem:$0x3FA9] =	sst s2  }
0xb: {  	[smem:$0x3FAA] =	sst s3  }
0xc: {  	[smem:$0x3FAB] =	sst s4  }
0xd: {  	[smem:$0x3FAC] =	sst s5  }
0xe: {  	[smem:$0x3FAD] =	sst s6  }
0xf: {  	[smem:$0x3FAE] =	sst s7  }
0x10: {  	[smem:$0x3FAF] =	sst s8  }
0x11: {  	[smem:$0x3FB0] =	sst s9;
	s0 =	simm.s32 @!p0 $0x0  }
0x12: {  	s1 =	sld [smem:$0x3F96];
	s0 =	simm.s32 @p0 $0x1  }
0x13: {  	[smem:$0x3FB1] =	sst s0;
	s0 =	simm.s32 @!p1 $0x0  }
0x14: {  	s2 =	sld [smem:$0x3F95];
	s0 =	simm.s32 @p1 $0x1  }
0x15: {  	[smem:$0x3FB2] =	sst s0;
	s0 =	simm.s32 @!p2 $0x0  }
0x16: {  	s3 =	sld [smem:$0x3FDB];
	s0 =	simm.s32 @p2 $0x1  }
0x17: {  	s4 =	simm.s32 $0x1BF5;
	[smem:$0x3FB4] =	sst s0  }
0x18: {  	s0 =	sld [smem:$0x3F97];
	_ =	swait.ge [sflag:s4], $0x0  }
0x19: {  	s7 =	sld [smem:$0x3F98]  }
0x1a: {  	s8 =	sadd.s32 $0xFFFFE003, lr  }
0x1b: {  	s9 =	sadd.s32 $0xFFFFFEF7, lr;
	s5 =	simm.s32 $0xFFFFFFFF;
	p2 =	slt.u32 s8, $0xFFFFF086  }
0x1c: {  	p1 =	slt.u32 s9, $0xF7A;
	s5 =	simm.s32 @!p2 $0x0  }
0x1d: {  	s5 =	simm.s32 @p1 $0x1;
	p0 =	seq.s32 s7, s2  }
0x1e: {  	s7 =	smul.u32 @!p0 $0xF7A, s2;
	p2 =	seq.s32 @!p0 s5, $0x0  }
0x1f: {  	s9 =	smul.u32 $0xF7A, s1;
	s8 =	simm.s32 @!p0 $0x1BF5;
	p2 =	por !p2, p0  }
0x20: {  	[sflag:s8] =	ssyncset.s32 @!p0 $0xFFFFF086;
	s6 =	sadd.s32 @!p0 s3, s7;
	s7 =	simm.s32 @!p0 $0x108  }
0x21: {  	s3 =	sadd.s32 s3, s9;
	s6 =	sadd.s32 @!p0 $0x88, s6;
	s7 =	simm.s32 @p2 $0x1082  }
0x22: {  	[simem:s7], [sflag:s8] =	dma.local @!p0 [hbm:s6], $0xF7A  }
0x23: {  	s9 =	sor.u32 $0xD0000000, s2;
	s6 =	simm.s32 $0x108;
	_ =	swait.ge @!p0 [sflag:s8], $0x0  }
0x24: {  	s3 =	sadd.s32 $0x88, s3;
	s6 =	simm.s32 @!p1 $0x1082;
	[sflag:s4] =	ssyncset.s32 $0xFFFFF086  }
0x25: {  	[simem:s6], [sflag:s4] =	dma.local [hbm:s3], $0xF7A  }
0x26: {  	[smem:$0x3F98] =	sst s1;
	(tag) =	ssettag s2;
	_ =	strace s9  }
0x27: {  	s1 =	sld [smem:$0x3FA8]  }
0x28: {  	s2 =	sld [smem:$0x3FA9]  }
0x29: {  	s4 =	sld [smem:$0x3FAB]  }
0x2a: {  	p0 =	seq.s32 s5, $0x0;
	s5 =	sld [smem:$0x3FAC]  }
0x2b: {  	s6 =	sld [smem:$0x3FAD]  }
0x2c: {  	s7 =	sld [smem:$0x3FAE]  }
0x2d: {  	s3 =	simm.s32 $0x108;
	s8 =	sld [smem:$0x3FAF]  }
0x2e: {  	s3 =	simm.s32 @!p0 $0x1082;
	s9 =	sld [smem:$0x3FB0]  }
0x2f: {  	lr =	sadd.s32 s0, s3;
	s0 =	sld [smem:$0x3FA7]  }
0x30: {  	s3 =	sld [smem:$0x3FAA]  }
0x31: {  	[smem:$0x3FB3] =	sst s10  }
0x32: {  	s10 =	sld [smem:$0x3FB1];
	_ =	sdelay $0x3  }
0x33: {  	p0 =	seq.s32 s10, $0x1;
	s10 =	sld [smem:$0x3FB3];
	_ =	sdelay $0x3  }
0x34: {  	[smem:$0x3FB3] =	sst s10  }
0x35: {  	s10 =	sld [smem:$0x3FB2];
	_ =	sdelay $0x3  }
0x36: {  	p1 =	seq.s32 s10, $0x1;
	s10 =	sld [smem:$0x3FB3];
	_ =	sdelay $0x3  }
0x37: {  	[smem:$0x3FB3] =	sst s10  }
0x38: {  	s10 =	sld [smem:$0x3FB4]  }
0x39: {  	_ = 	snop;
	(pc) =	sbr.ind lr, $3  }
0x3a: {  	_ = 	snop  }
0x3b: {  	_ = 	snop  }
0x3c: {  	p2 =	seq.s32 s10, $0x1;
	s10 =	sld [smem:$0x3FB3]  }
0x3d: {  	_ =	shalt  }
0x3e: {  	_ =	shalt  }
0x3f: {  	_ =	shalt  }
0x40: {  	_ =	shalt  }
0x41: {  	_ =	shalt  }
0x42: {  	_ =	shalt  }
0x43: {  	_ =	shalt  }
0x44: {  	_ =	shalt  }
0x45: {  	_ =	shalt  }
0x46: {  	_ =	shalt  }
0x47: {  	_ =	shalt  }
0x48: {  	_ =	shalt  }
0x49: {  	_ =	shalt  }
0x4a: {  	_ =	shalt  }
0x4b: {  	_ =	shalt  }
0x4c: {  	_ =	shalt  }
0x4d: {  	_ =	shalt  }
0x4e: {  	_ =	shalt  }
0x4f: {  	_ =	shalt  }
0x50: {  	_ =	shalt  }
0x51: {  	_ =	shalt  }
0x52: {  	_ =	shalt  }
0x53: {  	_ =	shalt  }
0x54: {  	_ =	shalt  }
0x55: {  	_ =	shalt  }
0x56: {  	_ =	shalt  }
0x57: {  	_ =	shalt  }
0x58: {  	_ =	shalt  }
0x59: {  	_ =	shalt  }
0x5a: {  	_ =	shalt  }
0x5b: {  	_ =	shalt  }
0x5c: {  	_ =	shalt  }
0x5d: {  	_ =	shalt  }
0x5e: {  	_ =	shalt  }
0x5f: {  	_ =	shalt  }
0x60: {  	_ =	shalt  }
0x61: {  	_ =	shalt  }
0x62: {  	_ =	shalt  }
0x63: {  	_ =	shalt  }
0x64: {  	_ =	shalt  }
0x65: {  	_ =	shalt  }
0x66: {  	_ =	shalt  }
0x67: {  	_ =	shalt  }
0x68: {  	_ =	shalt  }
0x69: {  	_ =	shalt  }
0x6a: {  	_ =	shalt  }
0x6b: {  	_ =	shalt  }
0x6c: {  	_ =	shalt  }
0x6d: {  	_ =	shalt  }
0x6e: {  	_ =	shalt  }
0x6f: {  	_ =	shalt  }
0x70: {  	_ =	shalt  }
0x71: {  	_ =	shalt  }
0x72: {  	_ =	shalt  }
0x73: {  	_ =	shalt  }
0x74: {  	_ =	shalt  }
0x75: {  	_ =	shalt  }
0x76: {  	_ =	shalt  }
0x77: {  	_ =	shalt  }
0x78: {  	_ =	shalt  }
0x79: {  	_ =	shalt  }
0x7a: {  	_ =	shalt  }
0x7b: {  	_ =	shalt  }
0x7c: {  	_ =	shalt  }
0x7d: {  	_ =	shalt  }
0x7e: {  	_ =	shalt  }
0x7f: {  	_ =	shalt  }
0x80: {  	_ =	shalt  }
0x81: {  	_ =	shalt  }
0x82: {  	_ =	shalt  }
0x83: {  	_ =	shalt  }
0x84: {  	_ =	shalt  }
0x85: {  	_ =	shalt  }
0x86: {  	_ =	shalt  }
0x87: {  	_ =	shalt  }
.Lfunc_end0:
.L_simem_size_0:
called_computation.2_lowered:
.L_overlay_start_0:
0x88: {  	s2 =	sld [smem:$0x3FD9]  }
0x89: {  	s3 =	sld [smem:$0x3FFE];
	_ =	sdelay $0x1  }
0x8a: {  	s1 =	srdreg.scid  }
0x8b: {  	s0 =	sand.u32 $0x1, s1  }
0x8c: {  	s16 =	sshll.u32 s0, $0xA;
	s2 =	sadd.s32 s3, s2  }
0x8d: {  	s2 =	sadd.s32 s2, s16  }
0x8e: {  	[smem:$0x3FBF] =	sst s2  }
0x8f: {  	_ = 	snop  }
0x90: {  	(tm) =	ssettm $0x1  }
0x91: {  	s17 =	sld [smem:$0x3FFB];
	_ =	sdelay $0x3  }
0x92: {  	_ =	strace s17  }
0x93: {  	s2 =	sld [smem:$0x3FFC];
	_ =	sdelay $0x3  }
0x94: {  	_ =	strace s2  }
0x95: {  	s2 =	sld [smem:$0x3FFD];
	_ =	sdelay $0x3  }
0x96: {  	_ =	strace s2  }
0x97: {  	_ =	strace $0x8FFFFFFF  }
0x98: {  	s18 =	sld [smem:$0x3FDB];
	_ =	sdelay $0x1  }
0x99: {  	s19 =	simm.s32 $_scs_section_size  }
0x9a: {  	s4 =	simm.s32 $_size__tile_overlayer_lowered;
	s5 =	simm.s32 $_tile_overlayer_lowered  }
0x9b: {  	s22 =	simm.s32 $0x1BFF;
	s21 =	sshll.u32 s5, $0x1;
	s2 =	sadd.s32 s19, s18  }
0x9c: {  	s6 =	simm.s32 $0x0;
	s20 =	sshll.u32 s4, $0x1;
	s4 =	sadd.s32 s21, s2  }
0x9d: {  	[timem:s6], [sflag:s22] =	dma.local [hbm:s4], s20  }
0x9e: {  	_ =	swait.ge [sflag:s22], s20  }
0x9f: {  	s3 =	ssub.s32 $0x0, s20;
	[sflag:s22] =	ssyncset.done $0x0  }
0xa0: {  	[sflag:s22] =	ssyncadd.s32 s3;
	_ =	sdelay $0x1  }
0xa1: {  	s23 =	simm.s32 $0x1B8B  }
0xa2: {  	_ =	swait.ge [sflag:s23], $0x1  }
0xa3: {  	[sflag:s23] =	ssyncset.done $0x0  }
0xa4: {  	s25 =	simm.s32 $0x1B8E;
	s24 =	sld [smem:$0x3FFE];
	[sflag:s23] =	ssyncadd.s32 $0xFFFFFFFF  }
0xa5: {  	s26 =	simm.s32 $execute0_lowered;
	[smem:$0x3FD2] =	sst s25  }
0xa6: {  	s4 =	sshll.u32 s26, $0x1;
	_ =	strace $0x8000004C;
	[dreg:$0x1] =	wrdreg $0xFFFFFFFF  }
0xa7: {  	s28 =	simm.s32 $_size_execute0_lowered;
	s2 =	sadd.s32 s2, s4;
	[dreg:$0x0] =	wrdreg $0x0  }
0xa8: {  	s4 =	sshll.u32 s28, $0x1;
	[dreg:$0x2] =	wrdreg s2  }
0xa9: {  	[dreg:$0x3] =	wrdreg s4  }
0xaa: {  	[dreg:$0x4] =	wrdreg $0xC0  }
0xab: {  	_ =	task [dreg:s6], $0x5FFFF  }
0xac: {  	[dreg:$0x1] =	wrdreg $0xFFFFFFFF  }
0xad: {  	[dreg:$0x0] =	wrdreg $0x60  }
0xae: {  	[dreg:$0x2] =	wrdreg s24  }
0xaf: {  	[dreg:$0x3] =	wrdreg $0xA8000  }
0xb0: {  	[dreg:$0x4] =	wrdreg $0x9  }
0xb1: {  	_ =	task.clear_ibuf [dreg:s6], $0x5FFFF;
	_ =	strace $0x9000004C  }
0xb2: {  	s29 =	simm.s32 $0x9;
	_ =	strace $0x8000004E  }
0xb3: {  	_ =	swait.ge [sflag:s29], $0x1  }
0xb4: {  	[sflag:s29] =	ssyncadd.s32 $0xFFFFFFFF  }
0xb5: {  	_ =	strace $0x9000004E  }
0xb6: {  	_ =	sfence  }
0xb7: {  	s30 =	sld [smem:$0x0];
	_ =	sdelay $0x2  }
0xb8: {  	s31 =	sshll.u32 s1, $0xD;
	s1 =	sshrl.u32 s1, $0x2  }
0xb9: {  	s3 =	sand.u32 $0x4000, s31;
	s1 =	sadd.s32 s1, s30  }
0xba: {  	s0 =	sor.u32 s3, s0;
	s1 =	sshll.u32 s1, $0x11  }
0xbb: {  	s0 =	sor.u32 s1, s0  }
0xbc: {  	s0 =	sadd.s32 $0x8F2B, s0  }
0xbd: {  	[sflag:s0] =	ssyncadd.remote.s32 $0x1  }
0xbe: {  	_ =	sfence.sel $0xFFFF  }
0xbf: {  	[dreg:$0x0] =	wrdreg $0xFFFFFFFF;
	(pc) =	sbr.abs _section_cstart, $3  }
0xc0: {  	[dreg:$0x1] =	wrdreg $0xFFFFFFFF  }
0xc1: {  	_ =	task.clear_ibuf [dreg:s6], $0x2FFFF;
	_ =	strace $0x9FFFFFFF  }
0xc2: {  	(tm) =	ssettm $0x7FFFFFFF  }
0xc3: {  	_ =	shalt  }
tec
execute0_lowered:
.L_overlay_start_1:
0x0: {  	(tag) =	ssettag $0x1  }
0x1: {  	s6 =	rddreg [dreg:$0x0]  }
0x2: {  	s2 =	rddreg [dreg:$0x1]  }
0x3: {  	s1 =	srdreg.scid;
	s0 =	rddreg [dreg:$0x2]  }
0x4: {  	s3 =	simm.s32 $0x0;
	s14 =	simm.s32 $0x80;
	s15 =	simm.s32 $0x2800  }
0x5: {  	s16 =	simm.s32 $0x6800;
	s17 =	simm.s32 $0x1;
	s18 =	simm.s32 $0x2  }
0x6: {  	s19 =	simm.s32 $0x2700;
	s20 =	simm.s32 $0x2780;
	s7 =	sand.u32 $0x1, s1  }
0x7: {  	s21 =	simm.s32 $0x0;
	s1 =	stileid.u32;
	s5 =	smul.u32 $0x140000, s7  }
0x8: {  	[smem:$0x7FF] =	sst s3;
	s4 =	sshll.u32 s7, $0x4;
	s8 =	smul.u32 $0x14000, s1  }
0x9: {  	_ =	strace $0x8000004D;
	s10 =	smul.u32 $0x50000, s1;
	s31 =	ssub.s32 $0x2, s7  }
0xa: {  	s11 =	sshll.u32 s1, $0x6;
	s4 =	sor.u32 s1, s4;
	s7 =	sshrl.u32 s31, $0x1  }
0xb: {  	s9 =	smul.u32 $0x280, s4;
	s4 =	sadd.s32 $0xC400, s6;
	s5 =	sadd.s32 s8, s5  }
0xc: {  	s10 =	sshrl.u32 s10, $0x2;
	s12 =	ssub.s32 s31, s7;
	s30 =	sshrl.u32 s5, $0x3  }
0xd: {  	s5 =	sadd.s32 $0x34400, s6;
	s13 =	sadd.s32 s10, s2;
	s10 =	smax.u32 s12, $0x1  }
0xe: {  	s12 =	simm.s32 $0x3;
	s29 =	sadd.s32 s9, s6;
	s9 =	sadd.s32 s30, s6  }
0xf: {  	s6 =	sor.u32 $0x1C03, s11;
	s11 =	sshrl.u32 s13, $0x3;
	s13 =	simm.s32 $0x1400  }
0x10: {  	s7 =	sadd.s32 $0x7400, s29;
	s8 =	sadd.s32 $0x1800, s29;
	s9 =	sadd.s32 $0x36C00, s9  }
.LBB2_1:
0x11: {  	[spmem:s11], [sflag:s6] =	dma.local [hbm:s5], $0x2800  }
0x12: {  	_ =	swait.ge [sflag:s12], $0x2800  }
0x13: {  	[sflag:s12] =	ssyncset.done $0x0  }
0x14: {  	[sflag:s12] =	ssyncadd.s32 $0xFFFFD800  }
0x15: {  	[tilespmem:s3], [sflag:$0x3] =	stream.linear.gather [hbm4b:s7+s3], $0x1400, $0x38;
	[tilespmem:$0x1E800] =	vst v63  }
0x16: {  	_ =	swait.ge [sflag:s12], $0x1400  }
0x17: {  	[sflag:s12] =	ssyncset.done $0x0  }
0x18: {  	[sflag:s12] =	ssyncadd.s32 $0xFFFFEC00  }
0x19: {  	[tilespmem:s13], [sflag:$0x3] =	stream.linear.gather [hbm4b:s8+s3], $0x1400, $0x38;
	[tilespmem:$0x1E800] =	vst v63  }
0x1a: {  	_ =	swait.ge [sflag:s12], $0x1400  }
0x1b: {  	[sflag:s12] =	ssyncset.done $0x0  }
0x1c: {  	[sflag:s12] =	ssyncadd.s32 $0xFFFFEC00  }
0x1d: {  	[bflag:$0x0] =	sbarrier.arrive $0xFFFF  }
0x1e: {  	[tilespmem:s15], [sflag:$0x1] =	stream.indirect.gather [hbm4b:s4+s14], $0x80, s3, s14, $0xb8;
	[tilespmem:$0x1E800] =	vst v63  }
0x1f: {  	_ = 	snop  }
0x20: {  	[tilespmem:s16], [sflag:$0x2] =	stream.indirect.gather [hbm4b:s4+s14], $0x80, s14, s14, $0xb8;
	[tilespmem:$0x1E800] =	vst v63  }
0x21: {  	_ =	swait.ge [sflag:s17], $0x4000  }
0x22: {  	[sflag:s17] =	ssyncset.done $0x0  }
0x23: {  	s22 =	simm.s32 $0x1400;
	[sflag:s17] =	ssyncadd.s32 $0xFFFFC000  }
0x24: {  	[spmem:s2] =	stream.indirect.scatter.add.f32 [tilespmem:s15], [sflag:$0x3], $0x80, s22, s14, $0xb8;
	[tilespmem:$0x1E800] =	vst v63  }
0x25: {  	_ =	swait.ge [sflag:s12], $0x4000  }
0x26: {  	[sflag:s12] =	ssyncset.done $0x0  }
0x27: {  	s30 =	simm.s32 $0x100;
	[sflag:s12] =	ssyncadd.s32 $0xFFFFC000  }
0x28: {  	[tilespmem:s15], [sflag:$0x1] =	stream.indirect.gather [hbm4b:s4+s14], $0x80, s30, s14, $0xb8;
	[tilespmem:$0x1E800] =	vst v63  }
0x29: {  	_ =	swait.ge [sflag:s18], $0x4000  }
0x2a: {  	[sflag:s18] =	ssyncset.done $0x0  }
0x2b: {  	s31 =	simm.s32 $0x1480;
	[sflag:s18] =	ssyncadd.s32 $0xFFFFC000  }
0x2c: {  	[spmem:s2] =	stream.indirect.scatter.add.f32 [tilespmem:s16], [sflag:$0x3], $0x80, s31, s14, $0xb8;
	[tilespmem:$0x1E800] =	vst v63  }
0x2d: {  	_ =	swait.ge [sflag:s12], $0x4000  }
0x2e: {  	[sflag:s12] =	ssyncset.done $0x0  }
0x2f: {  	s23 =	simm.s32 $0x180;
	s22 =	simm.s32 $0x400;
	[sflag:s12] =	ssyncadd.s32 $0xFFFFC000  }
.LBB2_2:
0x30: {  	[tilespmem:s16], [sflag:$0x2] =	stream.indirect.gather [hbm4b:s4+s14], $0x80, s23, s14, $0xb8;
	[tilespmem:$0x1E800] =	vst v63  }
0x31: {  	s23 =	smov.u32 s22  }
0x32: {  	p0 =	sne.s32 s22, $0x4800;
	s22 =	sadd.s32 $0x400, s22;
	_ =	swait.ge [sflag:s17], $0x4000  }
0x33: {  	s23 =	sshra.s32 s23, $0x2;
	[sflag:s17] =	ssyncset.done $0x0  }
0x34: {  	s24 =	sadd.s32 $0x1400, s23;
	[sflag:s17] =	ssyncadd.s32 $0xFFFFC000  }
0x35: {  	[spmem:s2] =	stream.indirect.scatter.add.f32 [tilespmem:s15], [sflag:$0x3], $0x80, s24, s14, $0xb8;
	[tilespmem:$0x1E800] =	vst v63  }
0x36: {  	_ =	swait.ge [sflag:s12], $0x4000  }
0x37: {  	[sflag:s12] =	ssyncset.done $0x0  }
0x38: {  	s24 =	sadd.s32 $0x100, s23;
	[sflag:s12] =	ssyncadd.s32 $0xFFFFC000  }
0x39: {  	[tilespmem:s15], [sflag:$0x1] =	stream.indirect.gather [hbm4b:s4+s14], $0x80, s24, s14, $0xb8;
	[tilespmem:$0x1E800] =	vst v63  }
0x3a: {  	_ =	swait.ge [sflag:s18], $0x4000  }
0x3b: {  	[sflag:s18] =	ssyncset.done $0x0  }
.Ltmp0:
0x3c: {  	s24 =	sadd.s32 $0x1480, s23;
	[sflag:s18] =	ssyncadd.s32 $0xFFFFC000;
	(pc) =	sbr.rel @p0 .LBB2_2-.Ltmp0, $4  }
0x3d: {  	[spmem:s2] =	stream.indirect.scatter.add.f32 [tilespmem:s16], [sflag:$0x3], $0x80, s24, s14, $0xb8;
	[tilespmem:$0x1E800] =	vst v63  }
0x3e: {  	_ =	swait.ge [sflag:s12], $0x4000  }
0x3f: {  	[sflag:s12] =	ssyncset.done $0x0  }
0x40: {  	s23 =	sadd.s32 $0x180, s23;
	[sflag:s12] =	ssyncadd.s32 $0xFFFFC000  }
0x41: {  	[tilespmem:s16], [sflag:$0x2] =	stream.indirect.gather [hbm4b:s4+s14], $0x80, s23, s14, $0xb8;
	[tilespmem:$0x1E800] =	vst v63  }
0x42: {  	_ =	swait.ge [sflag:s17], $0x4000  }
0x43: {  	[sflag:s17] =	ssyncset.done $0x0  }
0x44: {  	[sflag:s17] =	ssyncadd.s32 $0xFFFFC000  }
0x45: {  	[spmem:s2] =	stream.indirect.scatter.add.f32 [tilespmem:s15], [sflag:$0x3], $0x80, s19, s14, $0xb8;
	[tilespmem:$0x1E800] =	vst v63  }
0x46: {  	_ =	swait.ge [sflag:s12], $0x4000  }
0x47: {  	[sflag:s12] =	ssyncset.done $0x0  }
0x48: {  	[sflag:s12] =	ssyncadd.s32 $0xFFFFC000  }
0x49: {  	_ =	swait.ge [sflag:s18], $0x4000  }
0x4a: {  	[sflag:s18] =	ssyncset.done $0x0  }
0x4b: {  	[sflag:s18] =	ssyncadd.s32 $0xFFFFC000  }
0x4c: {  	[spmem:s2] =	stream.indirect.scatter.add.f32 [tilespmem:s16], [sflag:$0x3], $0x80, s20, s14, $0xb8;
	[tilespmem:$0x1E800] =	vst v63  }
0x4d: {  	_ =	swait.ge [sflag:s12], $0x4000  }
0x4e: {  	s21 =	sadd.s32 $0x1, s21;
	[sflag:s12] =	ssyncset.done $0x0  }
0x4f: {  	p0 =	sne.s32 s21, s10;
	[sflag:s12] =	ssyncadd.s32 $0xFFFFC000  }
.Ltmp1:
0x50: {  	[bflag:$0x0] =	sbarrier.arrive $0xFFFF;
	(pc) =	sbr.rel @p0 .LBB2_1-.Ltmp1, $4  }
0x51: {  	[hbm:s9], [sflag:s6] =	dma.local [spmem:s11], $0x2800  }
0x52: {  	_ =	swait.ge [sflag:s12], $0x2800  }
0x53: {  	[sflag:s12] =	ssyncset.done $0x0  }
0x54: {  	[sflag:s12] =	ssyncadd.s32 $0xFFFFD800  }
0x55: {  	_ =	sfence.sel $0x180000  }
0x56: {  	[bflag:$0x0] =	sbarrier.arrive $0xFFFF  }
0x57: {  	p0 =	sne.s32 s1, $0x0;
	_ =	strace $0x9000004D  }
0x58: {  	s0 =	sadd.s32 @!p0 $0x100000, s0;
	[bflag:$0x2] =	sbarrier.arrive $0xFFFF  }
0x59: {  	[sflag:s0] =	ssyncadd.tile.s32 @!p0 $0x1;
	_ =	shalt  }
.Lfunc_end2:
_tile_overlayer_lowered:
.L_overlay_start_2:
0x5a: {  	(tag) =	ssettag $0x2  }
0x5b: {  	s0 =	rddreg [dreg:$0x0];
	s2 =	stileid.u32  }
0x5c: {  	s1 =	rddreg [dreg:$0x1];
	p0 =	sne.s32 s2, $0x0  }
0x5d: {  	s3 =	rddreg [dreg:$0x2];
	[bflag:$0x3] =	sbarrier.arrive $0xFFFF;
	s2 =	simm.s32 @!p0 $0x1C03  }
0x5e: {  	[timem:s3], [sflag:s2] =	dma.local @!p0 [hbm:s0], s1  }
0x5f: {  	s0 =	simm.s32 @!p0 $0x3  }
0x60: {  	_ =	swait.ge @!p0 [sflag:s0], s1  }
0x61: {  	s1 =	ssub.s32 @!p0 $0x0, s1;
	[sflag:s0] =	ssyncset.done @!p0 $0x0  }
0x62: {  	[sflag:s0] =	ssyncadd.s32 @!p0 s1  }
0x63: {  	[bflag:$0x3] =	sbarrier.arrive $0xFFFF  }
0x64: {  	_ =	shalt  }

// kernel: kernel.8.cloned.1.call-start
scs
__scs_entry_jumppad:
0x0: {  	(pc) =	sbr.rel $0x88, $3  }
0x1: {  	(tag) =	ssettag $0x0;
	lr =	simm.s32 $0x1  }
0x2: {  	[smem:$0x3F98] =	sst lr;
	_ =	strace $0xD0000000  }
0x3: {  	_ = 	snop  }
0x4: {  	_ = 	snop  }
0x5: {  	_ = 	snop  }
0x6: {  	_ = 	snop  }
0x7: {  	_ = 	snop  }
__scs_overlays_trampoline_lowered:
0x8: {  	[smem:$0x3FA7] =	sst s0  }
0x9: {  	[smem:$0x3FA8] =	sst s1  }
0xa: {  	[smem:$0x3FA9] =	sst s2  }
0xb: {  	[smem:$0x3FAA] =	sst s3  }
0xc: {  	[smem:$0x3FAB] =	sst s4  }
0xd: {  	[smem:$0x3FAC] =	sst s5  }
0xe: {  	[smem:$0x3FAD] =	sst s6  }
0xf: {  	[smem:$0x3FAE] =	sst s7  }
0x10: {  	[smem:$0x3FAF] =	sst s8  }
0x11: {  	[smem:$0x3FB0] =	sst s9;
	s0 =	simm.s32 @!p0 $0x0  }
0x12: {  	s1 =	sld [smem:$0x3F96];
	s0 =	simm.s32 @p0 $0x1  }
0x13: {  	[smem:$0x3FB1] =	sst s0;
	s0 =	simm.s32 @!p1 $0x0  }
0x14: {  	s2 =	sld [smem:$0x3F95];
	s0 =	simm.s32 @p1 $0x1  }
0x15: {  	[smem:$0x3FB2] =	sst s0;
	s0 =	simm.s32 @!p2 $0x0  }
0x16: {  	s3 =	sld [smem:$0x3FDB];
	s0 =	simm.s32 @p2 $0x1  }
0x17: {  	s4 =	simm.s32 $0x1BF5;
	[smem:$0x3FB4] =	sst s0  }
0x18: {  	s0 =	sld [smem:$0x3F97];
	_ =	swait.ge [sflag:s4], $0x0  }
0x19: {  	s7 =	sld [smem:$0x3F98]  }
0x1a: {  	s8 =	sadd.s32 $0xFFFFE003, lr  }
0x1b: {  	s9 =	sadd.s32 $0xFFFFFEF7, lr;
	s5 =	simm.s32 $0xFFFFFFFF;
	p2 =	slt.u32 s8, $0xFFFFF086  }
0x1c: {  	p1 =	slt.u32 s9, $0xF7A;
	s5 =	simm.s32 @!p2 $0x0  }
0x1d: {  	s5 =	simm.s32 @p1 $0x1;
	p0 =	seq.s32 s7, s2  }
0x1e: {  	s7 =	smul.u32 @!p0 $0xF7A, s2;
	p2 =	seq.s32 @!p0 s5, $0x0  }
0x1f: {  	s9 =	smul.u32 $0xF7A, s1;
	s8 =	simm.s32 @!p0 $0x1BF5;
	p2 =	por !p2, p0  }
0x20: {  	[sflag:s8] =	ssyncset.s32 @!p0 $0xFFFFF086;
	s6 =	sadd.s32 @!p0 s3, s7;
	s7 =	simm.s32 @!p0 $0x108  }
0x21: {  	s3 =	sadd.s32 s3, s9;
	s6 =	sadd.s32 @!p0 $0x88, s6;
	s7 =	simm.s32 @p2 $0x1082  }
0x22: {  	[simem:s7], [sflag:s8] =	dma.local @!p0 [hbm:s6], $0xF7A  }
0x23: {  	s9 =	sor.u32 $0xD0000000, s2;
	s6 =	simm.s32 $0x108;
	_ =	swait.ge @!p0 [sflag:s8], $0x0  }
0x24: {  	s3 =	sadd.s32 $0x88, s3;
	s6 =	simm.s32 @!p1 $0x1082;
	[sflag:s4] =	ssyncset.s32 $0xFFFFF086  }
0x25: {  	[simem:s6], [sflag:s4] =	dma.local [hbm:s3], $0xF7A  }
0x26: {  	[smem:$0x3F98] =	sst s1;
	(tag) =	ssettag s2;
	_ =	strace s9  }
0x27: {  	s1 =	sld [smem:$0x3FA8]  }
0x28: {  	s2 =	sld [smem:$0x3FA9]  }
0x29: {  	s4 =	sld [smem:$0x3FAB]  }
0x2a: {  	p0 =	seq.s32 s5, $0x0;
	s5 =	sld [smem:$0x3FAC]  }
0x2b: {  	s6 =	sld [smem:$0x3FAD]  }
0x2c: {  	s7 =	sld [smem:$0x3FAE]  }
0x2d: {  	s3 =	simm.s32 $0x108;
	s8 =	sld [smem:$0x3FAF]  }
0x2e: {  	s3 =	simm.s32 @!p0 $0x1082;
	s9 =	sld [smem:$0x3FB0]  }
0x2f: {  	lr =	sadd.s32 s0, s3;
	s0 =	sld [smem:$0x3FA7]  }
0x30: {  	s3 =	sld [smem:$0x3FAA]  }
0x31: {  	[smem:$0x3FB3] =	sst s10  }
0x32: {  	s10 =	sld [smem:$0x3FB1];
	_ =	sdelay $0x3  }
0x33: {  	p0 =	seq.s32 s10, $0x1;
	s10 =	sld [smem:$0x3FB3];
	_ =	sdelay $0x3  }
0x34: {  	[smem:$0x3FB3] =	sst s10  }
0x35: {  	s10 =	sld [smem:$0x3FB2];
	_ =	sdelay $0x3  }
0x36: {  	p1 =	seq.s32 s10, $0x1;
	s10 =	sld [smem:$0x3FB3];
	_ =	sdelay $0x3  }
0x37: {  	[smem:$0x3FB3] =	sst s10  }
0x38: {  	s10 =	sld [smem:$0x3FB4]  }
0x39: {  	_ = 	snop;
	(pc) =	sbr.ind lr, $3  }
0x3a: {  	_ = 	snop  }
0x3b: {  	_ = 	snop  }
0x3c: {  	p2 =	seq.s32 s10, $0x1;
	s10 =	sld [smem:$0x3FB3]  }
0x3d: {  	_ =	shalt  }
0x3e: {  	_ =	shalt  }
0x3f: {  	_ =	shalt  }
0x40: {  	_ =	shalt  }
0x41: {  	_ =	shalt  }
0x42: {  	_ =	shalt  }
0x43: {  	_ =	shalt  }
0x44: {  	_ =	shalt  }
0x45: {  	_ =	shalt  }
0x46: {  	_ =	shalt  }
0x47: {  	_ =	shalt  }
0x48: {  	_ =	shalt  }
0x49: {  	_ =	shalt  }
0x4a: {  	_ =	shalt  }
0x4b: {  	_ =	shalt  }
0x4c: {  	_ =	shalt  }
0x4d: {  	_ =	shalt  }
0x4e: {  	_ =	shalt  }
0x4f: {  	_ =	shalt  }
0x50: {  	_ =	shalt  }
0x51: {  	_ =	shalt  }
0x52: {  	_ =	shalt  }
0x53: {  	_ =	shalt  }
0x54: {  	_ =	shalt  }
0x55: {  	_ =	shalt  }
0x56: {  	_ =	shalt  }
0x57: {  	_ =	shalt  }
0x58: {  	_ =	shalt  }
0x59: {  	_ =	shalt  }
0x5a: {  	_ =	shalt  }
0x5b: {  	_ =	shalt  }
0x5c: {  	_ =	shalt  }
0x5d: {  	_ =	shalt  }
0x5e: {  	_ =	shalt  }
0x5f: {  	_ =	shalt  }
0x60: {  	_ =	shalt  }
0x61: {  	_ =	shalt  }
0x62: {  	_ =	shalt  }
0x63: {  	_ =	shalt  }
0x64: {  	_ =	shalt  }
0x65: {  	_ =	shalt  }
0x66: {  	_ =	shalt  }
0x67: {  	_ =	shalt  }
0x68: {  	_ =	shalt  }
0x69: {  	_ =	shalt  }
0x6a: {  	_ =	shalt  }
0x6b: {  	_ =	shalt  }
0x6c: {  	_ =	shalt  }
0x6d: {  	_ =	shalt  }
0x6e: {  	_ =	shalt  }
0x6f: {  	_ =	shalt  }
0x70: {  	_ =	shalt  }
0x71: {  	_ =	shalt  }
0x72: {  	_ =	shalt  }
0x73: {  	_ =	shalt  }
0x74: {  	_ =	shalt  }
0x75: {  	_ =	shalt  }
0x76: {  	_ =	shalt  }
0x77: {  	_ =	shalt  }
0x78: {  	_ =	shalt  }
0x79: {  	_ =	shalt  }
0x7a: {  	_ =	shalt  }
0x7b: {  	_ =	shalt  }
0x7c: {  	_ =	shalt  }
0x7d: {  	_ =	shalt  }
0x7e: {  	_ =	shalt  }
0x7f: {  	_ =	shalt  }
0x80: {  	_ =	shalt  }
0x81: {  	_ =	shalt  }
0x82: {  	_ =	shalt  }
0x83: {  	_ =	shalt  }
0x84: {  	_ =	shalt  }
0x85: {  	_ =	shalt  }
0x86: {  	_ =	shalt  }
0x87: {  	_ =	shalt  }
.Lfunc_end0:
.L_simem_size_0:
called_computation_lowered:
.L_overlay_start_0:
0x88: {  	s2 =	sld [smem:$0x3FD9]  }
0x89: {  	s3 =	sld [smem:$0x3FFE];
	_ =	sdelay $0x1  }
0x8a: {  	s1 =	srdreg.scid  }
0x8b: {  	s0 =	sand.u32 $0x1, s1  }
0x8c: {  	s17 =	sshll.u32 s0, $0xA;
	s2 =	sadd.s32 s3, s2  }
0x8d: {  	s2 =	sadd.s32 s2, s17  }
0x8e: {  	[smem:$0x3FBF] =	sst s2  }
0x8f: {  	_ = 	snop  }
0x90: {  	s2 =	sld [smem:$0x3FD0];
	(tm) =	ssettm $0x1  }
0x91: {  	s18 =	sld [smem:$0x3FFB];
	_ =	sdelay $0x3  }
0x92: {  	_ =	strace s18  }
0x93: {  	s3 =	sld [smem:$0x3FFC];
	_ =	sdelay $0x3  }
0x94: {  	_ =	strace s3  }
0x95: {  	s3 =	sld [smem:$0x3FFD];
	_ =	sdelay $0x3  }
0x96: {  	_ =	strace s3  }
0x97: {  	_ =	strace $0x8FFFFFFF  }
0x98: {  	s19 =	sld [smem:$0x3FDB];
	_ =	sdelay $0x1  }
0x99: {  	s4 =	simm.s32 $_scs_section_size  }
0x9a: {  	s5 =	simm.s32 $_size__tile_overlayer_lowered;
	s6 =	simm.s32 $_tile_overlayer_lowered  }
0x9b: {  	s22 =	simm.s32 $0x1BFF;
	s21 =	sshll.u32 s6, $0x1;
	s3 =	sadd.s32 s4, s19  }
0x9c: {  	s7 =	simm.s32 $0x0;
	s20 =	sshll.u32 s5, $0x1;
	s5 =	sadd.s32 s21, s3  }
0x9d: {  	[timem:s7], [sflag:s22] =	dma.local [hbm:s5], s20  }
0x9e: {  	_ =	swait.ge [sflag:s22], s20  }
0x9f: {  	s4 =	ssub.s32 $0x0, s20;
	[sflag:s22] =	ssyncset.done $0x0  }
0xa0: {  	[sflag:s22] =	ssyncadd.s32 s4;
	_ =	sdelay $0x1  }
0xa1: {  	s23 =	simm.s32 $0x1B8B  }
0xa2: {  	_ =	swait.ge [sflag:s23], $0x1  }
0xa3: {  	[sflag:s23] =	ssyncset.done $0x0  }
0xa4: {  	s25 =	simm.s32 $0x1B8E;
	s24 =	sld [smem:$0x3FFE];
	[sflag:s23] =	ssyncadd.s32 $0xFFFFFFFF  }
0xa5: {  	s26 =	simm.s32 $execute0_lowered;
	[smem:$0x3FD2] =	sst s25  }
0xa6: {  	s5 =	sshll.u32 s26, $0x1;
	_ =	strace $0x80000046;
	[dreg:$0x1] =	wrdreg $0xFFFFFFFF  }
0xa7: {  	s28 =	simm.s32 $_size_execute0_lowered;
	s3 =	sadd.s32 s3, s5;
	[dreg:$0x0] =	wrdreg $0x0  }
0xa8: {  	s5 =	sshll.u32 s28, $0x1;
	[dreg:$0x2] =	wrdreg s3  }
0xa9: {  	[dreg:$0x3] =	wrdreg s5  }
0xaa: {  	[dreg:$0x4] =	wrdreg $0xC0  }
0xab: {  	_ =	task [dreg:s7], $0x5FFFF  }
0xac: {  	[dreg:$0x1] =	wrdreg $0xFFFFFFFF  }
0xad: {  	[dreg:$0x0] =	wrdreg $0x60  }
0xae: {  	[dreg:$0x2] =	wrdreg s24  }
0xaf: {  	[dreg:$0x3] =	wrdreg s2  }
0xb0: {  	[dreg:$0x4] =	wrdreg $0x14800  }
0xb1: {  	[dreg:$0x5] =	wrdreg $0x9  }
0xb2: {  	_ =	task.clear_ibuf [dreg:s7], $0x6FFFF;
	_ =	strace $0x90000046  }
0xb3: {  	s29 =	simm.s32 $0x9;
	_ =	strace $0x80000048  }
0xb4: {  	_ =	swait.ge [sflag:s29], $0x1  }
0xb5: {  	[sflag:s29] =	ssyncadd.s32 $0xFFFFFFFF  }
0xb6: {  	_ =	strace $0x90000048  }
0xb7: {  	_ =	sfence  }
0xb8: {  	s30 =	sld [smem:$0x0];
	_ =	sdelay $0x2  }
0xb9: {  	s31 =	sshll.u32 s1, $0xD;
	s1 =	sshrl.u32 s1, $0x2  }
0xba: {  	s3 =	sand.u32 $0x4000, s31;
	s1 =	sadd.s32 s1, s30  }
0xbb: {  	s0 =	sor.u32 s3, s0;
	s1 =	sshll.u32 s1, $0x11  }
0xbc: {  	s0 =	sor.u32 s1, s0  }
0xbd: {  	s0 =	sadd.s32 $0x8F2B, s0  }
0xbe: {  	[sflag:s0] =	ssyncadd.remote.s32 $0x1  }
0xbf: {  	_ =	sfence.sel $0xFFFF  }
0xc0: {  	[dreg:$0x0] =	wrdreg $0xFFFFFFFF;
	(pc) =	sbr.abs _section_cstart, $3  }
0xc1: {  	[dreg:$0x1] =	wrdreg $0xFFFFFFFF  }
0xc2: {  	_ =	task.clear_ibuf [dreg:s7], $0x2FFFF;
	_ =	strace $0x9FFFFFFF  }
0xc3: {  	(tm) =	ssettm $0x7FFFFFFF  }
tec
execute0_lowered:
.L_overlay_start_1:
0x0: {  	(tag) =	ssettag $0x1  }
0x1: {  	s6 =	rddreg [dreg:$0x0]  }
0x2: {  	s2 =	rddreg [dreg:$0x1]  }
0x3: {  	s0 =	srdreg.scid;
	s3 =	rddreg [dreg:$0x2];
	s4 =	simm.s32 $0x0  }
0x4: {  	s12 =	simm.s32 $0x1400;
	s13 =	simm.s32 $0x80;
	s14 =	simm.s32 $0x20  }
0x5: {  	s15 =	simm.s32 $0x10;
	s16 =	simm.s32 $0x0;
	s5 =	sand.u32 $0x1, s0  }
0x6: {  	s0 =	stileid.u32;
	[smem:$0x7FF] =	sst s4;
	s1 =	sshll.u32 s5, $0x4  }
0x7: {  	s8 =	smul.u32 $0x500, s0;
	s9 =	sshll.u32 s5, $0x7;
	s28 =	ssub.s32 $0x2, s5  }
0x8: {  	s10 =	smul.u32 $0xA00, s0;
	s5 =	sadd.s32 $0x6800, s6;
	s1 =	sor.u32 s0, s1  }
0x9: {  	s31 =	sshll.u32 s0, $0x6;
	s29 =	sshrl.u32 s28, $0x1;
	s7 =	smul.u32 $0x280, s1  }
0xa: {  	s1 =	rddreg [dreg:$0x3];
	_ =	strace $0x80000047;
	s8 =	sor.u32 s9, s8  }
0xb: {  	s9 =	ssub.s32 s28, s29;
	s30 =	sshrl.u32 s10, $0x2;
	s8 =	sshrl.u32 s8, $0x3  }
0xc: {  	s11 =	sadd.s32 s30, s3;
	s9 =	smax.u32 s9, $0x1;
	s7 =	sadd.s32 s7, s6  }
0xd: {  	s8 =	sadd.s32 s8, s6;
	s6 =	sor.u32 $0x1C01, s31;
	s10 =	sshrl.u32 s11, $0x3  }
0xe: {  	s11 =	simm.s32 $0x1;
	s7 =	sadd.s32 $0x1800, s7;
	s8 =	sadd.s32 $0x6A00, s8  }
.LBB2_1:
0xf: {  	[spmem:s10], [sflag:s6] =	dma.local [hbm:s5], $0x50  }
0x10: {  	_ =	swait.ge [sflag:s11], $0x50  }
0x11: {  	[sflag:s11] =	ssyncset.done $0x0  }
0x12: {  	[sflag:s11] =	ssyncadd.s32 $0xFFFFFFB0  }
0x13: {  	[tilespmem:s12], [sflag:$0x1] =	stream.linear.gather [hbm4b:s2+s4], $0x80, $0x38;
	[tilespmem:$0x1700] =	vst v63  }
0x14: {  	_ =	swait.ge [sflag:s11], $0x80  }
0x15: {  	[sflag:s11] =	ssyncset.done $0x0  }
0x16: {  	[sflag:s11] =	ssyncadd.s32 $0xFFFFFF80  }
0x17: {  	[tilespmem:s4], [sflag:$0x1] =	stream.linear.gather [hbm4b:s7+s4], $0x1400, $0x38;
	[tilespmem:$0x1700] =	vst v63  }
0x18: {  	_ =	swait.ge [sflag:s11], $0x1400  }
0x19: {  	[sflag:s11] =	ssyncset.done $0x0  }
0x1a: {  	[sflag:s11] =	ssyncadd.s32 $0xFFFFEC00  }
0x1b: {  	s17 =	simm.s32 $0x0;
	[bflag:$0x0] =	sbarrier.arrive $0xFFFF  }
0x1c: {  	[spmem:s3] =	stream.indirect.scatter.add.f32 [tilespmem:s12], [sflag:$0x1], $0x1, s17, s13, $0xb8;
	[tilespmem:$0x1700] =	vst v63  }
0x1d: {  	_ =	swait.ge [sflag:s11], $0x80  }
0x1e: {  	s17 =	simm.s32 $0x200;
	[sflag:s11] =	ssyncset.done $0x0  }
.LBB2_2:
0x1f: {  	s18 =	sshra.s32 s17, $0x2;
	[sflag:s11] =	ssyncadd.s32 $0xFFFFFF80;
	p0 =	sne.s32 s17, $0x4E00  }
0x20: {  	[spmem:s3] =	stream.indirect.scatter.add.f32 [tilespmem:s12], [sflag:$0x1], $0x1, s18, s13, $0xb8;
	[tilespmem:$0x1700] =	vst v63  }
.Ltmp0:
0x21: {  	_ = 	snop;
	(pc) =	sbr.rel @p0 .LBB2_2-.Ltmp0, $4  }
0x22: {  	_ = 	snop  }
0x23: {  	s17 =	sadd.s32 $0x200, s17  }
0x24: {  	_ =	swait.ge [sflag:s11], $0x80  }
0x25: {  	[sflag:s11] =	ssyncset.done $0x0  }
0x26: {  	s16 =	sadd.s32 $0x1, s16  }
0x27: {  	[sflag:s11] =	ssyncadd.s32 $0xFFFFFF80;
	p0 =	sne.s32 s16, s9  }
.Ltmp1:
0x28: {  	[bflag:$0x0] =	sbarrier.arrive $0xFFFF;
	(pc) =	sbr.rel @p0 .LBB2_1-.Ltmp1, $4  }
0x29: {  	[hbm:s8@s14], [sflag:s6] =	dma.strided [spmem:s10@s15], $0x50, s11, $0x10   }
0x2a: {  	_ =	swait.ge [sflag:s11], $0x50  }
0x2b: {  	[sflag:s11] =	ssyncset.done $0x0  }
0x2c: {  	[sflag:s11] =	ssyncadd.s32 $0xFFFFFFB0  }
0x2d: {  	_ =	sfence.sel $0x180000  }
0x2e: {  	[bflag:$0x0] =	sbarrier.arrive $0xFFFF  }
0x2f: {  	p0 =	sne.s32 s0, $0x0;
	_ =	strace $0x90000047  }
0x30: {  	s0 =	sadd.s32 @!p0 $0x100000, s1;
	[bflag:$0x2] =	sbarrier.arrive $0xFFFF  }
0x31: {  	[sflag:s0] =	ssyncadd.tile.s32 @!p0 $0x1;
	_ =	shalt  }
.Lfunc_end2:
_tile_overlayer_lowered:
.L_overlay_start_2:
0x32: {  	(tag) =	ssettag $0x2  }
0x33: {  	s0 =	rddreg [dreg:$0x0];
	s2 =	stileid.u32  }
0x34: {  	s1 =	rddreg [dreg:$0x1];
	p0 =	sne.s32 s2, $0x0  }
0x35: {  	s3 =	rddreg [dreg:$0x2];
	[bflag:$0x3] =	sbarrier.arrive $0xFFFF;
	s2 =	simm.s32 @!p0 $0x1C01  }
0x36: {  	[timem:s3], [sflag:s2] =	dma.local @!p0 [hbm:s0], s1  }
0x37: {  	s0 =	simm.s32 @!p0 $0x1  }
0x38: {  	_ =	swait.ge @!p0 [sflag:s0], s1  }
0x39: {  	s1 =	ssub.s32 @!p0 $0x0, s1;
	[sflag:s0] =	ssyncset.done @!p0 $0x0  }
0x3a: {  	[sflag:s0] =	ssyncadd.s32 @!p0 s1  }
0x3b: {  	[bflag:$0x3] =	sbarrier.arrive $0xFFFF  }
0x3c: {  	_ =	shalt  }

</sc_bundles>
